<compile_context>
chip_gen: v7x
topology: tpu7x:2x2x1
jax: 0.10.2.dev20260603
libtpu: 0.0.44.dev20260713+nightly
codegen_flags: <defaults>
</compile_context>

<pallas_src>
import functools

import jax
import jax.numpy as jnp
from jax import lax
from jax.experimental import pallas as pl
from jax.experimental.pallas import tpu as pltpu
from jax.experimental.pallas import tpu_sc as plsc

DIM = 32
NUM_HEADS = 16
ROW = NUM_HEADS * DIM * DIM

NC = 2
NS = 16
NW = NC * NS

CH = 1
NB = 4


def _gather_body(idx_hbm, table_hbm, out_hbm, idx_v, bufs, gsem, ssem):
    wid = lax.axis_index("s") * NC + lax.axis_index("c")
    nch = idx_v.shape[0]
    rows_per_w = nch * CH
    workers_per_batch = out_hbm.shape[1] // rows_per_w
    b = wid // workers_per_batch
    s_base = (wid % workers_per_batch) * rows_per_w
    pltpu.sync_copy(idx_hbm.at[wid], idx_v)

    def g_start(c, j):
        pltpu.async_copy(table_hbm.at[idx_v.at[c]], bufs.at[j], gsem.at[j])

    def g_wait(c, j):
        pltpu.make_async_copy(
            table_hbm.at[idx_v.at[c]], bufs.at[j], gsem.at[j]).wait()

    def s_start(c, j):
        pltpu.async_copy(
            bufs.at[j], out_hbm.at[b, pl.ds(s_base + c * CH, CH)], ssem.at[j])

    def s_wait(c, j):
        pltpu.make_async_copy(
            bufs.at[j], out_hbm.at[b, pl.ds(s_base + c * CH, CH)],
            ssem.at[j]).wait()

    for j in range(NB):
        g_start(j, j)
    T = nch // NB

    def body(t, carry):
        c0 = NB * t
        for j in range(NB):
            g_wait(c0 + j, j)
            s_start(c0 + j, j)

        @pl.when(t < T - 1)
        def _():
            for j in range(NB):
                s_wait(c0 + j, j)
                g_start(c0 + NB + j, j)

        return carry

    lax.fori_loop(0, T, body, 0)
    for j in range(NB):
        s_wait(nch - NB + j, j)


@functools.partial(jax.jit, static_argnums=(2, 3))
def _sc_gather(idx3, table2, batch, size):
    total_rows = batch * size
    nchunks = total_rows // (NW * CH)
    mesh = plsc.VectorSubcoreMesh(core_axis_name="c", subcore_axis_name="s")
    return pl.kernel(
        _gather_body,
        out_type=jax.ShapeDtypeStruct((batch, size, ROW), jnp.float32),
        mesh=mesh,
        scratch_types=[
            pltpu.VMEM((nchunks, CH), jnp.int32),
            pltpu.VMEM((NB, CH, ROW), jnp.float32),
            pltpu.SemaphoreType.DMA((NB,)),
            pltpu.SemaphoreType.DMA((NB,)),
        ],
    )(idx3, table2)


def kernel(position_ids, maps):
    batch, size = position_ids.shape
    total = batch * size
    table2 = maps.reshape(maps.shape[0], ROW)
    idx3 = position_ids.reshape(NW, total // (NW * CH), CH).astype(jnp.int32)
    out = _sc_gather(idx3, table2, batch, size)
    out = out.transpose(0, 2, 1)
    out = out.reshape(batch, NUM_HEADS, DIM, DIM, size)
    return out.transpose(0, 4, 1, 2, 3)

# --- scband reference (transcript-rebuilt; emitter-appended) ---
"""Pipeline reference for scband-unitary-sequential-35708358099359 (READ-ONLY COPY).

The authoritative reference and input builder live on the scoring server;
editing this copy changes nothing except your own understanding.
"""

import jax, jax.numpy as jnp
import numpy as np
import math

DIM = 32
NUM_HEADS = 16
SIZE = 2048
BATCH = 2


def _make_maps(primitives_param):
    # hermitian property: mask strictly-lower triangle, antisymmetrize
    mask = jnp.tril(jnp.ones((DIM, DIM), dtype=primitives_param.dtype), k=-1)
    p = primitives_param * mask
    H = p - jnp.swapaxes(p, -1, -2)
    # primitives property: matrix exponential per head -> unitary (orthogonal) maps
    prim = jax.vmap(jax.scipy.linalg.expm)(H)  # [NUM_HEADS, DIM, DIM]
    maps = prim[None]  # [1, H, D, D]
    for _ in range(math.ceil(math.log2(SIZE))):
        longest = maps[-1]  # [H, D, D]
        expanded = maps @ longest  # broadcast batched matmul
        maps = jnp.concatenate([maps, expanded], axis=0)
    maps = maps[:SIZE]
    eye = jnp.broadcast_to(jnp.eye(DIM, dtype=maps.dtype), (NUM_HEADS, DIM, DIM))
    return jnp.concatenate([eye[None], maps], axis=0)  # [SIZE+1, H, D, D]


def setup_inputs(seed: int = 0) -> dict:
    key = jax.random.key(seed)
    k1, k2 = jax.random.split(key)
    raw = jax.random.normal(k1, (NUM_HEADS, DIM, DIM), dtype=jnp.float32)
    # Parameter init: tril(randn, -1).softmax(-1)
    prim_param = jax.nn.softmax(jnp.tril(raw, k=-1), axis=-1)
    maps = _make_maps(prim_param)  # precompute(SIZE)
    position_ids = jax.random.randint(k2, (BATCH, SIZE), 0, SIZE + 1, dtype=jnp.int64 if jax.config.jax_enable_x64 else jnp.int32)
    return {"position_ids": position_ids, "maps": maps}


def reference(position_ids, maps):
    # forward: gather precomputed unitary maps by position id
    return maps[position_ids]  # [BATCH, SIZE, NUM_HEADS, DIM, DIM]

if __name__ == "__main__":
    import jax
    _d = setup_inputs()
    print(jax.jit(kernel)(*tuple(_d.values())))

</pallas_src>

<mosaic_0001>
#map = affine_map<(d0, d1) -> (0, 0, 0)>
#map1 = affine_map<(d0, d1) -> (0, 0)>
module attributes {stable_mosaic.version = 14 : i64} {
  func.func @_gather_body(%arg0: i32, %arg1: i32, %arg2: memref<32x128x1xi32, #tpu.memory_space<hbm>>, %arg3: memref<2049x16384xf32, #tpu.memory_space<hbm>>, %arg4: memref<2x2048x16384xf32, #tpu.memory_space<hbm>>, %arg5: memref<128x1xi32, #tpu.memory_space<vmem>>, %arg6: memref<4x1x16384xf32, #tpu.memory_space<vmem>>, %arg7: memref<4x!tpu.dma_semaphore, #tpu.memory_space<semaphore_mem>>, %arg8: memref<4x!tpu.dma_semaphore, #tpu.memory_space<semaphore_mem>>) attributes {dimension_semantics = [#tpu.dimension_semantics<core_parallel>, #tpu.dimension_semantics<subcore_parallel>], iteration_bounds = array<i64: 2, 16>, scalar_prefetch = 0 : i64, scratch_operands = 4 : i64, tpu.core_type = #tpu.core_type<sc_vector_subcore>, window_params = [{transform_indices = #map}, {transform_indices = #map1}, {transform_indices = #map}]} {
    %mul3A = arith.constant 2 : i32
    %mul3A_0 = arith.muli %arg1, %mul3A : i32
    %add3A = arith.addi %mul3A_0, %arg0 : i32
    %jit3A = arith.constant 16 : i32
    %div3A = arith.divsi %add3A, %jit3A : i32
    %sign3A = arith.constant 0 : i32
    %sign3A_1 = arith.cmpi sgt, %add3A, %sign3A : i32
    %sign3A_2 = arith.extui %sign3A_1 : i1 to i32
    %sign3A_3 = arith.constant 0 : i32
    %sign3A_4 = arith.cmpi slt, %add3A, %sign3A_3 : i32
    %sign3A_5 = arith.extui %sign3A_4 : i1 to i32
    %sign3A_6 = arith.subi %sign3A_2, %sign3A_5 : i32
    %sign3A_7 = arith.constant 0 : i32
    %sign3A_8 = arith.cmpi sgt, %jit3A, %sign3A_7 : i32
    %sign3A_9 = arith.extui %sign3A_8 : i1 to i32
    %sign3A_10 = arith.constant 0 : i32
    %sign3A_11 = arith.cmpi slt, %jit3A, %sign3A_10 : i32
    %sign3A_12 = arith.extui %sign3A_11 : i1 to i32
    %sign3A_13 = arith.subi %sign3A_9, %sign3A_12 : i32
    %ne3A = arith.cmpi ne, %sign3A_6, %sign3A_13 : i32
    %rem3A = arith.remsi %add3A, %jit3A : i32
    %ne3A_14 = arith.constant 0 : i32
    %ne3A_15 = arith.cmpi ne, %rem3A, %ne3A_14 : i32
    %and3A = arith.andi %ne3A, %ne3A_15 : i1
    %sub3A = arith.constant 1 : i32
    %sub3A_16 = arith.subi %div3A, %sub3A : i32
    %select_n3A = arith.select %and3A, %sub3A_16, %div3A : i32
    %jit3A_17 = arith.constant 16 : i32
    %eq3A = arith.constant 0 : i32
    %eq3A_18 = arith.cmpi eq, %jit3A_17, %eq3A : i32
    %jit3A_19 = arith.constant 1 : i32
    %select_n3A_20 = arith.select %eq3A_18, %jit3A_19, %jit3A_17 : i32
    %rem3A_21 = arith.remsi %add3A, %select_n3A_20 : i32
    %ne3A_22 = arith.constant 0 : i32
    %ne3A_23 = arith.cmpi ne, %rem3A_21, %ne3A_22 : i32
    %lt3A = arith.constant 0 : i32
    %lt3A_24 = arith.cmpi slt, %rem3A_21, %lt3A : i32
    %lt3A_25 = arith.constant 0 : i32
    %lt3A_26 = arith.cmpi slt, %select_n3A_20, %lt3A_25 : i32
    %ne3A_27 = arith.xori %lt3A_24, %lt3A_26 : i1
    %and3A_28 = arith.andi %ne3A_27, %ne3A_23 : i1
    %add3A_29 = arith.addi %rem3A_21, %select_n3A_20 : i32
    %select_n3A_30 = arith.select %and3A_28, %add3A_29, %rem3A_21 : i32
    %mul3A_31 = arith.constant 128 : i32
    %mul3A_32 = arith.muli %select_n3A_30, %mul3A_31 : i32
    "tpu.region"() ({
      %run_scoped3A = tpu.sem_alloc : memref<!tpu.dma_semaphore, #tpu.memory_space<semaphore_mem>>
      %dma_start3A_176 = arith.constant 0 : i32
      %dma_start3A_177 = arith.constant 0 : i32
      %dma_start3A_178 = tpu.memref_slice %arg2[%add3A, %dma_start3A_176, %dma_start3A_177] : memref<32x128x1xi32, #tpu.memory_space<hbm>> -> memref<1x128x1xi32, #tpu.memory_space<hbm>>
      %dma_start3A_179 = tpu.memref_squeeze %dma_start3A_178 : memref<1x128x1xi32, #tpu.memory_space<hbm>> -> memref<128x1xi32, #tpu.memory_space<hbm>>
      %dma_start3A_180 = arith.constant 0 : i32
      %dma_start3A_181 = arith.constant 0 : i32
      %dma_start3A_182 = tpu.memref_slice %arg2[%add3A, %dma_start3A_180, %dma_start3A_181] : memref<32x128x1xi32, #tpu.memory_space<hbm>> -> memref<1x128x1xi32, #tpu.memory_space<hbm>>
      %dma_start3A_183 = tpu.memref_squeeze %dma_start3A_182 : memref<1x128x1xi32, #tpu.memory_space<hbm>> -> memref<128x1xi32, #tpu.memory_space<hbm>>
      tpu.enqueue_dma source(%dma_start3A_183 : memref<128x1xi32, #tpu.memory_space<hbm>>) target(%arg5 : memref<128x1xi32, #tpu.memory_space<vmem>>) target_semaphore(%run_scoped3A : memref<!tpu.dma_semaphore, #tpu.memory_space<semaphore_mem>>)
      %dma_wait3A_184 = arith.constant 0 : i32
      %dma_wait3A_185 = arith.constant 0 : i32
      %dma_wait3A_186 = tpu.memref_slice %arg2[%add3A, %dma_wait3A_184, %dma_wait3A_185] : memref<32x128x1xi32, #tpu.memory_space<hbm>> -> memref<1x128x1xi32, #tpu.memory_space<hbm>>
      %dma_wait3A_187 = tpu.memref_squeeze %dma_wait3A_186 : memref<1x128x1xi32, #tpu.memory_space<hbm>> -> memref<128x1xi32, #tpu.memory_space<hbm>>
      %dma_wait3A_188 = arith.constant 0 : i32
      %dma_wait3A_189 = arith.constant 0 : i32
      %dma_wait3A_190 = tpu.memref_slice %arg2[%add3A, %dma_wait3A_188, %dma_wait3A_189] : memref<32x128x1xi32, #tpu.memory_space<hbm>> -> memref<1x128x1xi32, #tpu.memory_space<hbm>>
      %dma_wait3A_191 = tpu.memref_squeeze %dma_wait3A_190 : memref<1x128x1xi32, #tpu.memory_space<hbm>> -> memref<128x1xi32, #tpu.memory_space<hbm>>
      tpu.wait_dma2 semaphore(%run_scoped3A : memref<!tpu.dma_semaphore, #tpu.memory_space<semaphore_mem>>) src(%dma_wait3A_191 : memref<128x1xi32, #tpu.memory_space<hbm>>) dst(%arg5 : memref<128x1xi32, #tpu.memory_space<vmem>>)
      tpu.yield
    }) : () -> ()
    %dma_start3A = arith.constant 0 : i32
    %dma_start3A_33 = arith.constant 0 : i32
    %dma_start3A_34 = arith.constant 0 : i32
    %dma_start3A_35 = arith.constant 0 : i32
    %dma_start3A_36 = arith.constant 0 : i32
    %dma_start3A_37 = tpu.memref_slice %arg6[%dma_start3A_33, %dma_start3A_35, %dma_start3A_36] : memref<4x1x16384xf32, #tpu.memory_space<vmem>> -> memref<1x1x16384xf32, #tpu.memory_space<vmem>>
    %dma_start3A_38 = tpu.memref_squeeze %dma_start3A_37 : memref<1x1x16384xf32, #tpu.memory_space<vmem>> -> memref<1x16384xf32, #tpu.memory_space<vmem>>
    %dma_start3A_39 = arith.constant 0 : i32
    %dma_start3A_40 = tpu.memref_slice %arg5[%dma_start3A, %dma_start3A_39] : memref<128x1xi32, #tpu.memory_space<vmem>> -> memref<1x1xi32, #tpu.memory_space<vmem>>
    %dma_start3A_41 = tpu.memref_squeeze %dma_start3A_40 : memref<1x1xi32, #tpu.memory_space<vmem>> -> memref<1xi32, #tpu.memory_space<vmem>>
    %dma_start3A_42 = arith.constant 0 : i32
    %dma_start3A_43 = arith.constant 0 : i32
    %dma_start3A_44 = tpu.memref_slice %arg3[%dma_start3A_42, %dma_start3A_43] : memref<2049x16384xf32, #tpu.memory_space<hbm>> -> memref<2049x16384xf32, #tpu.memory_space<hbm>>
    %dma_start3A_45 = tpu.memref_slice %arg7[%dma_start3A_34] : memref<4x!tpu.dma_semaphore, #tpu.memory_space<semaphore_mem>> -> memref<1x!tpu.dma_semaphore, #tpu.memory_space<semaphore_mem>>
    %dma_start3A_46 = tpu.memref_squeeze %dma_start3A_45 : memref<1x!tpu.dma_semaphore, #tpu.memory_space<semaphore_mem>> -> memref<!tpu.dma_semaphore, #tpu.memory_space<semaphore_mem>>
    tpu.enqueue_indirect_dma source(%dma_start3A_44 : memref<2049x16384xf32, #tpu.memory_space<hbm>>) target(%dma_start3A_38 : memref<1x16384xf32, #tpu.memory_space<vmem>>) offsets(%dma_start3A_41 : memref<1xi32, #tpu.memory_space<vmem>>) semaphore(%dma_start3A_46 : memref<!tpu.dma_semaphore, #tpu.memory_space<semaphore_mem>>)
    %dma_start3A_47 = arith.constant 1 : i32
    %dma_start3A_48 = arith.constant 1 : i32
    %dma_start3A_49 = arith.constant 1 : i32
    %dma_start3A_50 = arith.constant 0 : i32
    %dma_start3A_51 = arith.constant 0 : i32
    %dma_start3A_52 = tpu.memref_slice %arg6[%dma_start3A_48, %dma_start3A_50, %dma_start3A_51] : memref<4x1x16384xf32, #tpu.memory_space<vmem>> -> memref<1x1x16384xf32, #tpu.memory_space<vmem>>
    %dma_start3A_53 = tpu.memref_squeeze %dma_start3A_52 : memref<1x1x16384xf32, #tpu.memory_space<vmem>> -> memref<1x16384xf32, #tpu.memory_space<vmem>>
    %dma_start3A_54 = arith.constant 0 : i32
    %dma_start3A_55 = tpu.memref_slice %arg5[%dma_start3A_47, %dma_start3A_54] : memref<128x1xi32, #tpu.memory_space<vmem>> -> memref<1x1xi32, #tpu.memory_space<vmem>>
    %dma_start3A_56 = tpu.memref_squeeze %dma_start3A_55 : memref<1x1xi32, #tpu.memory_space<vmem>> -> memref<1xi32, #tpu.memory_space<vmem>>
    %dma_start3A_57 = arith.constant 0 : i32
    %dma_start3A_58 = arith.constant 0 : i32
    %dma_start3A_59 = tpu.memref_slice %arg3[%dma_start3A_57, %dma_start3A_58] : memref<2049x16384xf32, #tpu.memory_space<hbm>> -> memref<2049x16384xf32, #tpu.memory_space<hbm>>
    %dma_start3A_60 = tpu.memref_slice %arg7[%dma_start3A_49] : memref<4x!tpu.dma_semaphore, #tpu.memory_space<semaphore_mem>> -> memref<1x!tpu.dma_semaphore, #tpu.memory_space<semaphore_mem>>
    %dma_start3A_61 = tpu.memref_squeeze %dma_start3A_60 : memref<1x!tpu.dma_semaphore, #tpu.memory_space<semaphore_mem>> -> memref<!tpu.dma_semaphore, #tpu.memory_space<semaphore_mem>>
    tpu.enqueue_indirect_dma source(%dma_start3A_59 : memref<2049x16384xf32, #tpu.memory_space<hbm>>) target(%dma_start3A_53 : memref<1x16384xf32, #tpu.memory_space<vmem>>) offsets(%dma_start3A_56 : memref<1xi32, #tpu.memory_space<vmem>>) semaphore(%dma_start3A_61 : memref<!tpu.dma_semaphore, #tpu.memory_space<semaphore_mem>>)
    %dma_start3A_62 = arith.constant 2 : i32
    %dma_start3A_63 = arith.constant 2 : i32
    %dma_start3A_64 = arith.constant 2 : i32
    %dma_start3A_65 = arith.constant 0 : i32
    %dma_start3A_66 = arith.constant 0 : i32
    %dma_start3A_67 = tpu.memref_slice %arg6[%dma_start3A_63, %dma_start3A_65, %dma_start3A_66] : memref<4x1x16384xf32, #tpu.memory_space<vmem>> -> memref<1x1x16384xf32, #tpu.memory_space<vmem>>
    %dma_start3A_68 = tpu.memref_squeeze %dma_start3A_67 : memref<1x1x16384xf32, #tpu.memory_space<vmem>> -> memref<1x16384xf32, #tpu.memory_space<vmem>>
    %dma_start3A_69 = arith.constant 0 : i32
    %dma_start3A_70 = tpu.memref_slice %arg5[%dma_start3A_62, %dma_start3A_69] : memref<128x1xi32, #tpu.memory_space<vmem>> -> memref<1x1xi32, #tpu.memory_space<vmem>>
    %dma_start3A_71 = tpu.memref_squeeze %dma_start3A_70 : memref<1x1xi32, #tpu.memory_space<vmem>> -> memref<1xi32, #tpu.memory_space<vmem>>
    %dma_start3A_72 = arith.constant 0 : i32
    %dma_start3A_73 = arith.constant 0 : i32
    %dma_start3A_74 = tpu.memref_slice %arg3[%dma_start3A_72, %dma_start3A_73] : memref<2049x16384xf32, #tpu.memory_space<hbm>> -> memref<2049x16384xf32, #tpu.memory_space<hbm>>
    %dma_start3A_75 = tpu.memref_slice %arg7[%dma_start3A_64] : memref<4x!tpu.dma_semaphore, #tpu.memory_space<semaphore_mem>> -> memref<1x!tpu.dma_semaphore, #tpu.memory_space<semaphore_mem>>
    %dma_start3A_76 = tpu.memref_squeeze %dma_start3A_75 : memref<1x!tpu.dma_semaphore, #tpu.memory_space<semaphore_mem>> -> memref<!tpu.dma_semaphore, #tpu.memory_space<semaphore_mem>>
    tpu.enqueue_indirect_dma source(%dma_start3A_74 : memref<2049x16384xf32, #tpu.memory_space<hbm>>) target(%dma_start3A_68 : memref<1x16384xf32, #tpu.memory_space<vmem>>) offsets(%dma_start3A_71 : memref<1xi32, #tpu.memory_space<vmem>>) semaphore(%dma_start3A_76 : memref<!tpu.dma_semaphore, #tpu.memory_space<semaphore_mem>>)
    %dma_start3A_77 = arith.constant 3 : i32
    %dma_start3A_78 = arith.constant 3 : i32
    %dma_start3A_79 = arith.constant 3 : i32
    %dma_start3A_80 = arith.constant 0 : i32
    %dma_start3A_81 = arith.constant 0 : i32
    %dma_start3A_82 = tpu.memref_slice %arg6[%dma_start3A_78, %dma_start3A_80, %dma_start3A_81] : memref<4x1x16384xf32, #tpu.memory_space<vmem>> -> memref<1x1x16384xf32, #tpu.memory_space<vmem>>
    %dma_start3A_83 = tpu.memref_squeeze %dma_start3A_82 : memref<1x1x16384xf32, #tpu.memory_space<vmem>> -> memref<1x16384xf32, #tpu.memory_space<vmem>>
    %dma_start3A_84 = arith.constant 0 : i32
    %dma_start3A_85 = tpu.memref_slice %arg5[%dma_start3A_77, %dma_start3A_84] : memref<128x1xi32, #tpu.memory_space<vmem>> -> memref<1x1xi32, #tpu.memory_space<vmem>>
    %dma_start3A_86 = tpu.memref_squeeze %dma_start3A_85 : memref<1x1xi32, #tpu.memory_space<vmem>> -> memref<1xi32, #tpu.memory_space<vmem>>
    %dma_start3A_87 = arith.constant 0 : i32
    %dma_start3A_88 = arith.constant 0 : i32
    %dma_start3A_89 = tpu.memref_slice %arg3[%dma_start3A_87, %dma_start3A_88] : memref<2049x16384xf32, #tpu.memory_space<hbm>> -> memref<2049x16384xf32, #tpu.memory_space<hbm>>
    %dma_start3A_90 = tpu.memref_slice %arg7[%dma_start3A_79] : memref<4x!tpu.dma_semaphore, #tpu.memory_space<semaphore_mem>> -> memref<1x!tpu.dma_semaphore, #tpu.memory_space<semaphore_mem>>
    %dma_start3A_91 = tpu.memref_squeeze %dma_start3A_90 : memref<1x!tpu.dma_semaphore, #tpu.memory_space<semaphore_mem>> -> memref<!tpu.dma_semaphore, #tpu.memory_space<semaphore_mem>>
    tpu.enqueue_indirect_dma source(%dma_start3A_89 : memref<2049x16384xf32, #tpu.memory_space<hbm>>) target(%dma_start3A_83 : memref<1x16384xf32, #tpu.memory_space<vmem>>) offsets(%dma_start3A_86 : memref<1xi32, #tpu.memory_space<vmem>>) semaphore(%dma_start3A_91 : memref<!tpu.dma_semaphore, #tpu.memory_space<semaphore_mem>>)
    %scan3A = arith.constant 0 : i32
    %scan3A_92 = arith.constant 0 : i32
    %scan3A_93 = arith.constant 32 : i32
    %scan3A_94 = arith.addi %scan3A_92, %scan3A_93 : i32
    %scan3A_95 = arith.constant 1 : i32
    scf.for %scan3A_176 = %scan3A_92 to %scan3A_94 step %scan3A_95  : i32 {
      %mul3A_177 = arith.constant 4 : i32
      %mul3A_178 = arith.muli %mul3A_177, %scan3A_176 : i32
      %add3A_179 = arith.constant 0 : i32
      %add3A_180 = arith.addi %mul3A_178, %add3A_179 : i32
      %dma_wait3A_181 = arith.constant 0 : i32
      %dma_wait3A_182 = arith.constant 0 : i32
      %dma_wait3A_183 = arith.constant 0 : i32
      %dma_wait3A_184 = arith.constant 0 : i32
      %dma_wait3A_185 = tpu.memref_slice %arg6[%dma_wait3A_181, %dma_wait3A_183, %dma_wait3A_184] : memref<4x1x16384xf32, #tpu.memory_space<vmem>> -> memref<1x1x16384xf32, #tpu.memory_space<vmem>>
      %dma_wait3A_186 = tpu.memref_squeeze %dma_wait3A_185 : memref<1x1x16384xf32, #tpu.memory_space<vmem>> -> memref<1x16384xf32, #tpu.memory_space<vmem>>
      %dma_wait3A_187 = arith.constant 0 : i32
      %dma_wait3A_188 = tpu.memref_slice %arg5[%add3A_180, %dma_wait3A_187] : memref<128x1xi32, #tpu.memory_space<vmem>> -> memref<1x1xi32, #tpu.memory_space<vmem>>
      %dma_wait3A_189 = tpu.memref_squeeze %dma_wait3A_188 : memref<1x1xi32, #tpu.memory_space<vmem>> -> memref<1xi32, #tpu.memory_space<vmem>>
      %dma_wait3A_190 = arith.constant 0 : i32
      %dma_wait3A_191 = arith.constant 0 : i32
      %dma_wait3A_192 = tpu.memref_slice %arg3[%dma_wait3A_190, %dma_wait3A_191] : memref<2049x16384xf32, #tpu.memory_space<hbm>> -> memref<2049x16384xf32, #tpu.memory_space<hbm>>
      %dma_wait3A_193 = tpu.memref_slice %arg7[%dma_wait3A_182] : memref<4x!tpu.dma_semaphore, #tpu.memory_space<semaphore_mem>> -> memref<1x!tpu.dma_semaphore, #tpu.memory_space<semaphore_mem>>
      %dma_wait3A_194 = tpu.memref_squeeze %dma_wait3A_193 : memref<1x!tpu.dma_semaphore, #tpu.memory_space<semaphore_mem>> -> memref<!tpu.dma_semaphore, #tpu.memory_space<semaphore_mem>>
      tpu.wait_indirect_dma semaphore(%dma_wait3A_194 : memref<!tpu.dma_semaphore, #tpu.memory_space<semaphore_mem>>) src(%dma_wait3A_192 : memref<2049x16384xf32, #tpu.memory_space<hbm>>) dst(%dma_wait3A_186 : memref<1x16384xf32, #tpu.memory_space<vmem>>)
      %add3A_195 = arith.constant 0 : i32
      %add3A_196 = arith.addi %mul3A_178, %add3A_195 : i32
      %mul3A_197 = arith.constant 1 : i32
      %mul3A_198 = arith.muli %add3A_196, %mul3A_197 : i32
      %add3A_199 = arith.addi %mul3A_32, %mul3A_198 : i32
      %dma_start3A_200 = arith.constant 0 : i32
      %dma_start3A_201 = arith.constant 0 : i32
      %dma_start3A_202 = arith.constant 0 : i32
      %dma_start3A_203 = arith.constant 0 : i32
      %dma_start3A_204 = tpu.memref_slice %arg6[%dma_start3A_200, %dma_start3A_202, %dma_start3A_203] : memref<4x1x16384xf32, #tpu.memory_space<vmem>> -> memref<1x1x16384xf32, #tpu.memory_space<vmem>>
      %dma_start3A_205 = tpu.memref_squeeze %dma_start3A_204 : memref<1x1x16384xf32, #tpu.memory_space<vmem>> -> memref<1x16384xf32, #tpu.memory_space<vmem>>
      %dma_start3A_206 = arith.constant 0 : i32
      %dma_start3A_207 = tpu.memref_slice %arg4[%select_n3A, %add3A_199, %dma_start3A_206] : memref<2x2048x16384xf32, #tpu.memory_space<hbm>> -> memref<1x1x16384xf32, #tpu.memory_space<hbm>>
      %dma_start3A_208 = tpu.memref_squeeze %dma_start3A_207 : memref<1x1x16384xf32, #tpu.memory_space<hbm>> -> memref<1x16384xf32, #tpu.memory_space<hbm>>
      %dma_start3A_209 = tpu.memref_slice %arg8[%dma_start3A_201] : memref<4x!tpu.dma_semaphore, #tpu.memory_space<semaphore_mem>> -> memref<1x!tpu.dma_semaphore, #tpu.memory_space<semaphore_mem>>
      %dma_start3A_210 = tpu.memref_squeeze %dma_start3A_209 : memref<1x!tpu.dma_semaphore, #tpu.memory_space<semaphore_mem>> -> memref<!tpu.dma_semaphore, #tpu.memory_space<semaphore_mem>>
      %dma_start3A_211 = arith.constant 0 : i32
      %dma_start3A_212 = tpu.memref_slice %arg4[%select_n3A, %add3A_199, %dma_start3A_211] : memref<2x2048x16384xf32, #tpu.memory_space<hbm>> -> memref<1x1x16384xf32, #tpu.memory_space<hbm>>
      %dma_start3A_213 = tpu.memref_squeeze %dma_start3A_212 : memref<1x1x16384xf32, #tpu.memory_space<hbm>> -> memref<1x16384xf32, #tpu.memory_space<hbm>>
      %dma_start3A_214 = arith.constant 0 : i32
      %dma_start3A_215 = arith.constant 0 : i32
      %dma_start3A_216 = tpu.memref_slice %arg6[%dma_start3A_200, %dma_start3A_214, %dma_start3A_215] : memref<4x1x16384xf32, #tpu.memory_space<vmem>> -> memref<1x1x16384xf32, #tpu.memory_space<vmem>>
      %dma_start3A_217 = tpu.memref_squeeze %dma_start3A_216 : memref<1x1x16384xf32, #tpu.memory_space<vmem>> -> memref<1x16384xf32, #tpu.memory_space<vmem>>
      tpu.enqueue_dma source(%dma_start3A_217 : memref<1x16384xf32, #tpu.memory_space<vmem>>) target(%dma_start3A_213 : memref<1x16384xf32, #tpu.memory_space<hbm>>) target_semaphore(%dma_start3A_210 : memref<!tpu.dma_semaphore, #tpu.memory_space<semaphore_mem>>)
      %add3A_218 = arith.constant 1 : i32
      %add3A_219 = arith.addi %mul3A_178, %add3A_218 : i32
      %dma_wait3A_220 = arith.constant 1 : i32
      %dma_wait3A_221 = arith.constant 1 : i32
      %dma_wait3A_222 = arith.constant 0 : i32
      %dma_wait3A_223 = arith.constant 0 : i32
      %dma_wait3A_224 = tpu.memref_slice %arg6[%dma_wait3A_220, %dma_wait3A_222, %dma_wait3A_223] : memref<4x1x16384xf32, #tpu.memory_space<vmem>> -> memref<1x1x16384xf32, #tpu.memory_space<vmem>>
      %dma_wait3A_225 = tpu.memref_squeeze %dma_wait3A_224 : memref<1x1x16384xf32, #tpu.memory_space<vmem>> -> memref<1x16384xf32, #tpu.memory_space<vmem>>
      %dma_wait3A_226 = arith.constant 0 : i32
      %dma_wait3A_227 = tpu.memref_slice %arg5[%add3A_219, %dma_wait3A_226] : memref<128x1xi32, #tpu.memory_space<vmem>> -> memref<1x1xi32, #tpu.memory_space<vmem>>
      %dma_wait3A_228 = tpu.memref_squeeze %dma_wait3A_227 : memref<1x1xi32, #tpu.memory_space<vmem>> -> memref<1xi32, #tpu.memory_space<vmem>>
      %dma_wait3A_229 = arith.constant 0 : i32
      %dma_wait3A_230 = arith.constant 0 : i32
      %dma_wait3A_231 = tpu.memref_slice %arg3[%dma_wait3A_229, %dma_wait3A_230] : memref<2049x16384xf32, #tpu.memory_space<hbm>> -> memref<2049x16384xf32, #tpu.memory_space<hbm>>
      %dma_wait3A_232 = tpu.memref_slice %arg7[%dma_wait3A_221] : memref<4x!tpu.dma_semaphore, #tpu.memory_space<semaphore_mem>> -> memref<1x!tpu.dma_semaphore, #tpu.memory_space<semaphore_mem>>
      %dma_wait3A_233 = tpu.memref_squeeze %dma_wait3A_232 : memref<1x!tpu.dma_semaphore, #tpu.memory_space<semaphore_mem>> -> memref<!tpu.dma_semaphore, #tpu.memory_space<semaphore_mem>>
      tpu.wait_indirect_dma semaphore(%dma_wait3A_233 : memref<!tpu.dma_semaphore, #tpu.memory_space<semaphore_mem>>) src(%dma_wait3A_231 : memref<2049x16384xf32, #tpu.memory_space<hbm>>) dst(%dma_wait3A_225 : memref<1x16384xf32, #tpu.memory_space<vmem>>)
      %add3A_234 = arith.constant 1 : i32
      %add3A_235 = arith.addi %mul3A_178, %add3A_234 : i32
      %mul3A_236 = arith.constant 1 : i32
      %mul3A_237 = arith.muli %add3A_235, %mul3A_236 : i32
      %add3A_238 = arith.addi %mul3A_32, %mul3A_237 : i32
      %dma_start3A_239 = arith.constant 1 : i32
      %dma_start3A_240 = arith.constant 1 : i32
      %dma_start3A_241 = arith.constant 0 : i32
      %dma_start3A_242 = arith.constant 0 : i32
      %dma_start3A_243 = tpu.memref_slice %arg6[%dma_start3A_239, %dma_start3A_241, %dma_start3A_242] : memref<4x1x16384xf32, #tpu.memory_space<vmem>> -> memref<1x1x16384xf32, #tpu.memory_space<vmem>>
      %dma_start3A_244 = tpu.memref_squeeze %dma_start3A_243 : memref<1x1x16384xf32, #tpu.memory_space<vmem>> -> memref<1x16384xf32, #tpu.memory_space<vmem>>
      %dma_start3A_245 = arith.constant 0 : i32
      %dma_start3A_246 = tpu.memref_slice %arg4[%select_n3A, %add3A_238, %dma_start3A_245] : memref<2x2048x16384xf32, #tpu.memory_space<hbm>> -> memref<1x1x16384xf32, #tpu.memory_space<hbm>>
      %dma_start3A_247 = tpu.memref_squeeze %dma_start3A_246 : memref<1x1x16384xf32, #tpu.memory_space<hbm>> -> memref<1x16384xf32, #tpu.memory_space<hbm>>
      %dma_start3A_248 = tpu.memref_slice %arg8[%dma_start3A_240] : memref<4x!tpu.dma_semaphore, #tpu.memory_space<semaphore_mem>> -> memref<1x!tpu.dma_semaphore, #tpu.memory_space<semaphore_mem>>
      %dma_start3A_249 = tpu.memref_squeeze %dma_start3A_248 : memref<1x!tpu.dma_semaphore, #tpu.memory_space<semaphore_mem>> -> memref<!tpu.dma_semaphore, #tpu.memory_space<semaphore_mem>>
      %dma_start3A_250 = arith.constant 0 : i32
      %dma_start3A_251 = tpu.memref_slice %arg4[%select_n3A, %add3A_238, %dma_start3A_250] : memref<2x2048x16384xf32, #tpu.memory_space<hbm>> -> memref<1x1x16384xf32, #tpu.memory_space<hbm>>
      %dma_start3A_252 = tpu.memref_squeeze %dma_start3A_251 : memref<1x1x16384xf32, #tpu.memory_space<hbm>> -> memref<1x16384xf32, #tpu.memory_space<hbm>>
      %dma_start3A_253 = arith.constant 0 : i32
      %dma_start3A_254 = arith.constant 0 : i32
      %dma_start3A_255 = tpu.memref_slice %arg6[%dma_start3A_239, %dma_start3A_253, %dma_start3A_254] : memref<4x1x16384xf32, #tpu.memory_space<vmem>> -> memref<1x1x16384xf32, #tpu.memory_space<vmem>>
      %dma_start3A_256 = tpu.memref_squeeze %dma_start3A_255 : memref<1x1x16384xf32, #tpu.memory_space<vmem>> -> memref<1x16384xf32, #tpu.memory_space<vmem>>
      tpu.enqueue_dma source(%dma_start3A_256 : memref<1x16384xf32, #tpu.memory_space<vmem>>) target(%dma_start3A_252 : memref<1x16384xf32, #tpu.memory_space<hbm>>) target_semaphore(%dma_start3A_249 : memref<!tpu.dma_semaphore, #tpu.memory_space<semaphore_mem>>)
      %add3A_257 = arith.constant 2 : i32
      %add3A_258 = arith.addi %mul3A_178, %add3A_257 : i32
      %dma_wait3A_259 = arith.constant 2 : i32
      %dma_wait3A_260 = arith.constant 2 : i32
      %dma_wait3A_261 = arith.constant 0 : i32
      %dma_wait3A_262 = arith.constant 0 : i32
      %dma_wait3A_263 = tpu.memref_slice %arg6[%dma_wait3A_259, %dma_wait3A_261, %dma_wait3A_262] : memref<4x1x16384xf32, #tpu.memory_space<vmem>> -> memref<1x1x16384xf32, #tpu.memory_space<vmem>>
      %dma_wait3A_264 = tpu.memref_squeeze %dma_wait3A_263 : memref<1x1x16384xf32, #tpu.memory_space<vmem>> -> memref<1x16384xf32, #tpu.memory_space<vmem>>
      %dma_wait3A_265 = arith.constant 0 : i32
      %dma_wait3A_266 = tpu.memref_slice %arg5[%add3A_258, %dma_wait3A_265] : memref<128x1xi32, #tpu.memory_space<vmem>> -> memref<1x1xi32, #tpu.memory_space<vmem>>
      %dma_wait3A_267 = tpu.memref_squeeze %dma_wait3A_266 : memref<1x1xi32, #tpu.memory_space<vmem>> -> memref<1xi32, #tpu.memory_space<vmem>>
      %dma_wait3A_268 = arith.constant 0 : i32
      %dma_wait3A_269 = arith.constant 0 : i32
      %dma_wait3A_270 = tpu.memref_slice %arg3[%dma_wait3A_268, %dma_wait3A_269] : memref<2049x16384xf32, #tpu.memory_space<hbm>> -> memref<2049x16384xf32, #tpu.memory_space<hbm>>
      %dma_wait3A_271 = tpu.memref_slice %arg7[%dma_wait3A_260] : memref<4x!tpu.dma_semaphore, #tpu.memory_space<semaphore_mem>> -> memref<1x!tpu.dma_semaphore, #tpu.memory_space<semaphore_mem>>
      %dma_wait3A_272 = tpu.memref_squeeze %dma_wait3A_271 : memref<1x!tpu.dma_semaphore, #tpu.memory_space<semaphore_mem>> -> memref<!tpu.dma_semaphore, #tpu.memory_space<semaphore_mem>>
      tpu.wait_indirect_dma semaphore(%dma_wait3A_272 : memref<!tpu.dma_semaphore, #tpu.memory_space<semaphore_mem>>) src(%dma_wait3A_270 : memref<2049x16384xf32, #tpu.memory_space<hbm>>) dst(%dma_wait3A_264 : memref<1x16384xf32, #tpu.memory_space<vmem>>)
      %add3A_273 = arith.constant 2 : i32
      %add3A_274 = arith.addi %mul3A_178, %add3A_273 : i32
      %mul3A_275 = arith.constant 1 : i32
      %mul3A_276 = arith.muli %add3A_274, %mul3A_275 : i32
      %add3A_277 = arith.addi %mul3A_32, %mul3A_276 : i32
      %dma_start3A_278 = arith.constant 2 : i32
      %dma_start3A_279 = arith.constant 2 : i32
      %dma_start3A_280 = arith.constant 0 : i32
      %dma_start3A_281 = arith.constant 0 : i32
      %dma_start3A_282 = tpu.memref_slice %arg6[%dma_start3A_278, %dma_start3A_280, %dma_start3A_281] : memref<4x1x16384xf32, #tpu.memory_space<vmem>> -> memref<1x1x16384xf32, #tpu.memory_space<vmem>>
      %dma_start3A_283 = tpu.memref_squeeze %dma_start3A_282 : memref<1x1x16384xf32, #tpu.memory_space<vmem>> -> memref<1x16384xf32, #tpu.memory_space<vmem>>
      %dma_start3A_284 = arith.constant 0 : i32
      %dma_start3A_285 = tpu.memref_slice %arg4[%select_n3A, %add3A_277, %dma_start3A_284] : memref<2x2048x16384xf32, #tpu.memory_space<hbm>> -> memref<1x1x16384xf32, #tpu.memory_space<hbm>>
      %dma_start3A_286 = tpu.memref_squeeze %dma_start3A_285 : memref<1x1x16384xf32, #tpu.memory_space<hbm>> -> memref<1x16384xf32, #tpu.memory_space<hbm>>
      %dma_start3A_287 = tpu.memref_slice %arg8[%dma_start3A_279] : memref<4x!tpu.dma_semaphore, #tpu.memory_space<semaphore_mem>> -> memref<1x!tpu.dma_semaphore, #tpu.memory_space<semaphore_mem>>
      %dma_start3A_288 = tpu.memref_squeeze %dma_start3A_287 : memref<1x!tpu.dma_semaphore, #tpu.memory_space<semaphore_mem>> -> memref<!tpu.dma_semaphore, #tpu.memory_space<semaphore_mem>>
      %dma_start3A_289 = arith.constant 0 : i32
      %dma_start3A_290 = tpu.memref_slice %arg4[%select_n3A, %add3A_277, %dma_start3A_289] : memref<2x2048x16384xf32, #tpu.memory_space<hbm>> -> memref<1x1x16384xf32, #tpu.memory_space<hbm>>
      %dma_start3A_291 = tpu.memref_squeeze %dma_start3A_290 : memref<1x1x16384xf32, #tpu.memory_space<hbm>> -> memref<1x16384xf32, #tpu.memory_space<hbm>>
      %dma_start3A_292 = arith.constant 0 : i32
      %dma_start3A_293 = arith.constant 0 : i32
      %dma_start3A_294 = tpu.memref_slice %arg6[%dma_start3A_278, %dma_start3A_292, %dma_start3A_293] : memref<4x1x16384xf32, #tpu.memory_space<vmem>> -> memref<1x1x16384xf32, #tpu.memory_space<vmem>>
      %dma_start3A_295 = tpu.memref_squeeze %dma_start3A_294 : memref<1x1x16384xf32, #tpu.memory_space<vmem>> -> memref<1x16384xf32, #tpu.memory_space<vmem>>
      tpu.enqueue_dma source(%dma_start3A_295 : memref<1x16384xf32, #tpu.memory_space<vmem>>) target(%dma_start3A_291 : memref<1x16384xf32, #tpu.memory_space<hbm>>) target_semaphore(%dma_start3A_288 : memref<!tpu.dma_semaphore, #tpu.memory_space<semaphore_mem>>)
      %add3A_296 = arith.constant 3 : i32
      %add3A_297 = arith.addi %mul3A_178, %add3A_296 : i32
      %dma_wait3A_298 = arith.constant 3 : i32
      %dma_wait3A_299 = arith.constant 3 : i32
      %dma_wait3A_300 = arith.constant 0 : i32
      %dma_wait3A_301 = arith.constant 0 : i32
      %dma_wait3A_302 = tpu.memref_slice %arg6[%dma_wait3A_298, %dma_wait3A_300, %dma_wait3A_301] : memref<4x1x16384xf32, #tpu.memory_space<vmem>> -> memref<1x1x16384xf32, #tpu.memory_space<vmem>>
      %dma_wait3A_303 = tpu.memref_squeeze %dma_wait3A_302 : memref<1x1x16384xf32, #tpu.memory_space<vmem>> -> memref<1x16384xf32, #tpu.memory_space<vmem>>
      %dma_wait3A_304 = arith.constant 0 : i32
      %dma_wait3A_305 = tpu.memref_slice %arg5[%add3A_297, %dma_wait3A_304] : memref<128x1xi32, #tpu.memory_space<vmem>> -> memref<1x1xi32, #tpu.memory_space<vmem>>
      %dma_wait3A_306 = tpu.memref_squeeze %dma_wait3A_305 : memref<1x1xi32, #tpu.memory_space<vmem>> -> memref<1xi32, #tpu.memory_space<vmem>>
      %dma_wait3A_307 = arith.constant 0 : i32
      %dma_wait3A_308 = arith.constant 0 : i32
      %dma_wait3A_309 = tpu.memref_slice %arg3[%dma_wait3A_307, %dma_wait3A_308] : memref<2049x16384xf32, #tpu.memory_space<hbm>> -> memref<2049x16384xf32, #tpu.memory_space<hbm>>
      %dma_wait3A_310 = tpu.memref_slice %arg7[%dma_wait3A_299] : memref<4x!tpu.dma_semaphore, #tpu.memory_space<semaphore_mem>> -> memref<1x!tpu.dma_semaphore, #tpu.memory_space<semaphore_mem>>
      %dma_wait3A_311 = tpu.memref_squeeze %dma_wait3A_310 : memref<1x!tpu.dma_semaphore, #tpu.memory_space<semaphore_mem>> -> memref<!tpu.dma_semaphore, #tpu.memory_space<semaphore_mem>>
      tpu.wait_indirect_dma semaphore(%dma_wait3A_311 : memref<!tpu.dma_semaphore, #tpu.memory_space<semaphore_mem>>) src(%dma_wait3A_309 : memref<2049x16384xf32, #tpu.memory_space<hbm>>) dst(%dma_wait3A_303 : memref<1x16384xf32, #tpu.memory_space<vmem>>)
      %add3A_312 = arith.constant 3 : i32
      %add3A_313 = arith.addi %mul3A_178, %add3A_312 : i32
      %mul3A_314 = arith.constant 1 : i32
      %mul3A_315 = arith.muli %add3A_313, %mul3A_314 : i32
      %add3A_316 = arith.addi %mul3A_32, %mul3A_315 : i32
      %dma_start3A_317 = arith.constant 3 : i32
      %dma_start3A_318 = arith.constant 3 : i32
      %dma_start3A_319 = arith.constant 0 : i32
      %dma_start3A_320 = arith.constant 0 : i32
      %dma_start3A_321 = tpu.memref_slice %arg6[%dma_start3A_317, %dma_start3A_319, %dma_start3A_320] : memref<4x1x16384xf32, #tpu.memory_space<vmem>> -> memref<1x1x16384xf32, #tpu.memory_space<vmem>>
      %dma_start3A_322 = tpu.memref_squeeze %dma_start3A_321 : memref<1x1x16384xf32, #tpu.memory_space<vmem>> -> memref<1x16384xf32, #tpu.memory_space<vmem>>
      %dma_start3A_323 = arith.constant 0 : i32
      %dma_start3A_324 = tpu.memref_slice %arg4[%select_n3A, %add3A_316, %dma_start3A_323] : memref<2x2048x16384xf32, #tpu.memory_space<hbm>> -> memref<1x1x16384xf32, #tpu.memory_space<hbm>>
      %dma_start3A_325 = tpu.memref_squeeze %dma_start3A_324 : memref<1x1x16384xf32, #tpu.memory_space<hbm>> -> memref<1x16384xf32, #tpu.memory_space<hbm>>
      %dma_start3A_326 = tpu.memref_slice %arg8[%dma_start3A_318] : memref<4x!tpu.dma_semaphore, #tpu.memory_space<semaphore_mem>> -> memref<1x!tpu.dma_semaphore, #tpu.memory_space<semaphore_mem>>
      %dma_start3A_327 = tpu.memref_squeeze %dma_start3A_326 : memref<1x!tpu.dma_semaphore, #tpu.memory_space<semaphore_mem>> -> memref<!tpu.dma_semaphore, #tpu.memory_space<semaphore_mem>>
      %dma_start3A_328 = arith.constant 0 : i32
      %dma_start3A_329 = tpu.memref_slice %arg4[%select_n3A, %add3A_316, %dma_start3A_328] : memref<2x2048x16384xf32, #tpu.memory_space<hbm>> -> memref<1x1x16384xf32, #tpu.memory_space<hbm>>
      %dma_start3A_330 = tpu.memref_squeeze %dma_start3A_329 : memref<1x1x16384xf32, #tpu.memory_space<hbm>> -> memref<1x16384xf32, #tpu.memory_space<hbm>>
      %dma_start3A_331 = arith.constant 0 : i32
      %dma_start3A_332 = arith.constant 0 : i32
      %dma_start3A_333 = tpu.memref_slice %arg6[%dma_start3A_317, %dma_start3A_331, %dma_start3A_332] : memref<4x1x16384xf32, #tpu.memory_space<vmem>> -> memref<1x1x16384xf32, #tpu.memory_space<vmem>>
      %dma_start3A_334 = tpu.memref_squeeze %dma_start3A_333 : memref<1x1x16384xf32, #tpu.memory_space<vmem>> -> memref<1x16384xf32, #tpu.memory_space<vmem>>
      tpu.enqueue_dma source(%dma_start3A_334 : memref<1x16384xf32, #tpu.memory_space<vmem>>) target(%dma_start3A_330 : memref<1x16384xf32, #tpu.memory_space<hbm>>) target_semaphore(%dma_start3A_327 : memref<!tpu.dma_semaphore, #tpu.memory_space<semaphore_mem>>)
      %lt3A_335 = arith.constant 31 : i32
      %lt3A_336 = arith.cmpi slt, %scan3A_176, %lt3A_335 : i32
      %convert_element_type3A = arith.extui %lt3A_336 : i1 to i32
      %cond3A = arith.constant 0 : i32
      %cond3A_337 = arith.cmpi ne, %convert_element_type3A, %cond3A : i32
      scf.if %cond3A_337 {
        %add3A_338 = arith.constant 0 : i32
        %add3A_339 = arith.addi %mul3A_178, %add3A_338 : i32
        %mul3A_340 = arith.constant 1 : i32
        %mul3A_341 = arith.muli %add3A_339, %mul3A_340 : i32
        %add3A_342 = arith.addi %mul3A_32, %mul3A_341 : i32
        %dma_wait3A_343 = arith.constant 0 : i32
        %dma_wait3A_344 = arith.constant 0 : i32
        %dma_wait3A_345 = arith.constant 0 : i32
        %dma_wait3A_346 = arith.constant 0 : i32
        %dma_wait3A_347 = tpu.memref_slice %arg6[%dma_wait3A_343, %dma_wait3A_345, %dma_wait3A_346] : memref<4x1x16384xf32, #tpu.memory_space<vmem>> -> memref<1x1x16384xf32, #tpu.memory_space<vmem>>
        %dma_wait3A_348 = tpu.memref_squeeze %dma_wait3A_347 : memref<1x1x16384xf32, #tpu.memory_space<vmem>> -> memref<1x16384xf32, #tpu.memory_space<vmem>>
        %dma_wait3A_349 = arith.constant 0 : i32
        %dma_wait3A_350 = tpu.memref_slice %arg4[%select_n3A, %add3A_342, %dma_wait3A_349] : memref<2x2048x16384xf32, #tpu.memory_space<hbm>> -> memref<1x1x16384xf32, #tpu.memory_space<hbm>>
        %dma_wait3A_351 = tpu.memref_squeeze %dma_wait3A_350 : memref<1x1x16384xf32, #tpu.memory_space<hbm>> -> memref<1x16384xf32, #tpu.memory_space<hbm>>
        %dma_wait3A_352 = tpu.memref_slice %arg8[%dma_wait3A_344] : memref<4x!tpu.dma_semaphore, #tpu.memory_space<semaphore_mem>> -> memref<1x!tpu.dma_semaphore, #tpu.memory_space<semaphore_mem>>
        %dma_wait3A_353 = tpu.memref_squeeze %dma_wait3A_352 : memref<1x!tpu.dma_semaphore, #tpu.memory_space<semaphore_mem>> -> memref<!tpu.dma_semaphore, #tpu.memory_space<semaphore_mem>>
        %dma_wait3A_354 = arith.constant 0 : i32
        %dma_wait3A_355 = tpu.memref_slice %arg4[%select_n3A, %add3A_342, %dma_wait3A_354] : memref<2x2048x16384xf32, #tpu.memory_space<hbm>> -> memref<1x1x16384xf32, #tpu.memory_space<hbm>>
        %dma_wait3A_356 = tpu.memref_squeeze %dma_wait3A_355 : memref<1x1x16384xf32, #tpu.memory_space<hbm>> -> memref<1x16384xf32, #tpu.memory_space<hbm>>
        %dma_wait3A_357 = arith.constant 0 : i32
        %dma_wait3A_358 = arith.constant 0 : i32
        %dma_wait3A_359 = tpu.memref_slice %arg6[%dma_wait3A_343, %dma_wait3A_357, %dma_wait3A_358] : memref<4x1x16384xf32, #tpu.memory_space<vmem>> -> memref<1x1x16384xf32, #tpu.memory_space<vmem>>
        %dma_wait3A_360 = tpu.memref_squeeze %dma_wait3A_359 : memref<1x1x16384xf32, #tpu.memory_space<vmem>> -> memref<1x16384xf32, #tpu.memory_space<vmem>>
        tpu.wait_dma2 semaphore(%dma_wait3A_353 : memref<!tpu.dma_semaphore, #tpu.memory_space<semaphore_mem>>) src(%dma_wait3A_360 : memref<1x16384xf32, #tpu.memory_space<vmem>>) dst(%dma_wait3A_356 : memref<1x16384xf32, #tpu.memory_space<hbm>>)
        %add3A_361 = arith.constant 4 : i32
        %add3A_362 = arith.addi %mul3A_178, %add3A_361 : i32
        %add3A_363 = arith.constant 0 : i32
        %add3A_364 = arith.addi %add3A_362, %add3A_363 : i32
        %dma_start3A_365 = arith.constant 0 : i32
        %dma_start3A_366 = arith.constant 0 : i32
        %dma_start3A_367 = arith.constant 0 : i32
        %dma_start3A_368 = arith.constant 0 : i32
        %dma_start3A_369 = tpu.memref_slice %arg6[%dma_start3A_365, %dma_start3A_367, %dma_start3A_368] : memref<4x1x16384xf32, #tpu.memory_space<vmem>> -> memref<1x1x16384xf32, #tpu.memory_space<vmem>>
        %dma_start3A_370 = tpu.memref_squeeze %dma_start3A_369 : memref<1x1x16384xf32, #tpu.memory_space<vmem>> -> memref<1x16384xf32, #tpu.memory_space<vmem>>
        %dma_start3A_371 = arith.constant 0 : i32
        %dma_start3A_372 = tpu.memref_slice %arg5[%add3A_364, %dma_start3A_371] : memref<128x1xi32, #tpu.memory_space<vmem>> -> memref<1x1xi32, #tpu.memory_space<vmem>>
        %dma_start3A_373 = tpu.memref_squeeze %dma_start3A_372 : memref<1x1xi32, #tpu.memory_space<vmem>> -> memref<1xi32, #tpu.memory_space<vmem>>
        %dma_start3A_374 = arith.constant 0 : i32
        %dma_start3A_375 = arith.constant 0 : i32
        %dma_start3A_376 = tpu.memref_slice %arg3[%dma_start3A_374, %dma_start3A_375] : memref<2049x16384xf32, #tpu.memory_space<hbm>> -> memref<2049x16384xf32, #tpu.memory_space<hbm>>
        %dma_start3A_377 = tpu.memref_slice %arg7[%dma_start3A_366] : memref<4x!tpu.dma_semaphore, #tpu.memory_space<semaphore_mem>> -> memref<1x!tpu.dma_semaphore, #tpu.memory_space<semaphore_mem>>
        %dma_start3A_378 = tpu.memref_squeeze %dma_start3A_377 : memref<1x!tpu.dma_semaphore, #tpu.memory_space<semaphore_mem>> -> memref<!tpu.dma_semaphore, #tpu.memory_space<semaphore_mem>>
        tpu.enqueue_indirect_dma source(%dma_start3A_376 : memref<2049x16384xf32, #tpu.memory_space<hbm>>) target(%dma_start3A_370 : memref<1x16384xf32, #tpu.memory_space<vmem>>) offsets(%dma_start3A_373 : memref<1xi32, #tpu.memory_space<vmem>>) semaphore(%dma_start3A_378 : memref<!tpu.dma_semaphore, #tpu.memory_space<semaphore_mem>>)
        %add3A_379 = arith.constant 1 : i32
        %add3A_380 = arith.addi %mul3A_178, %add3A_379 : i32
        %mul3A_381 = arith.constant 1 : i32
        %mul3A_382 = arith.muli %add3A_380, %mul3A_381 : i32
        %add3A_383 = arith.addi %mul3A_32, %mul3A_382 : i32
        %dma_wait3A_384 = arith.constant 1 : i32
        %dma_wait3A_385 = arith.constant 1 : i32
        %dma_wait3A_386 = arith.constant 0 : i32
        %dma_wait3A_387 = arith.constant 0 : i32
        %dma_wait3A_388 = tpu.memref_slice %arg6[%dma_wait3A_384, %dma_wait3A_386, %dma_wait3A_387] : memref<4x1x16384xf32, #tpu.memory_space<vmem>> -> memref<1x1x16384xf32, #tpu.memory_space<vmem>>
        %dma_wait3A_389 = tpu.memref_squeeze %dma_wait3A_388 : memref<1x1x16384xf32, #tpu.memory_space<vmem>> -> memref<1x16384xf32, #tpu.memory_space<vmem>>
        %dma_wait3A_390 = arith.constant 0 : i32
        %dma_wait3A_391 = tpu.memref_slice %arg4[%select_n3A, %add3A_383, %dma_wait3A_390] : memref<2x2048x16384xf32, #tpu.memory_space<hbm>> -> memref<1x1x16384xf32, #tpu.memory_space<hbm>>
        %dma_wait3A_392 = tpu.memref_squeeze %dma_wait3A_391 : memref<1x1x16384xf32, #tpu.memory_space<hbm>> -> memref<1x16384xf32, #tpu.memory_space<hbm>>
        %dma_wait3A_393 = tpu.memref_slice %arg8[%dma_wait3A_385] : memref<4x!tpu.dma_semaphore, #tpu.memory_space<semaphore_mem>> -> memref<1x!tpu.dma_semaphore, #tpu.memory_space<semaphore_mem>>
        %dma_wait3A_394 = tpu.memref_squeeze %dma_wait3A_393 : memref<1x!tpu.dma_semaphore, #tpu.memory_space<semaphore_mem>> -> memref<!tpu.dma_semaphore, #tpu.memory_space<semaphore_mem>>
        %dma_wait3A_395 = arith.constant 0 : i32
        %dma_wait3A_396 = tpu.memref_slice %arg4[%select_n3A, %add3A_383, %dma_wait3A_395] : memref<2x2048x16384xf32, #tpu.memory_space<hbm>> -> memref<1x1x16384xf32, #tpu.memory_space<hbm>>
        %dma_wait3A_397 = tpu.memref_squeeze %dma_wait3A_396 : memref<1x1x16384xf32, #tpu.memory_space<hbm>> -> memref<1x16384xf32, #tpu.memory_space<hbm>>
        %dma_wait3A_398 = arith.constant 0 : i32
        %dma_wait3A_399 = arith.constant 0 : i32
        %dma_wait3A_400 = tpu.memref_slice %arg6[%dma_wait3A_384, %dma_wait3A_398, %dma_wait3A_399] : memref<4x1x16384xf32, #tpu.memory_space<vmem>> -> memref<1x1x16384xf32, #tpu.memory_space<vmem>>
        %dma_wait3A_401 = tpu.memref_squeeze %dma_wait3A_400 : memref<1x1x16384xf32, #tpu.memory_space<vmem>> -> memref<1x16384xf32, #tpu.memory_space<vmem>>
        tpu.wait_dma2 semaphore(%dma_wait3A_394 : memref<!tpu.dma_semaphore, #tpu.memory_space<semaphore_mem>>) src(%dma_wait3A_401 : memref<1x16384xf32, #tpu.memory_space<vmem>>) dst(%dma_wait3A_397 : memref<1x16384xf32, #tpu.memory_space<hbm>>)
        %add3A_402 = arith.constant 4 : i32
        %add3A_403 = arith.addi %mul3A_178, %add3A_402 : i32
        %add3A_404 = arith.constant 1 : i32
        %add3A_405 = arith.addi %add3A_403, %add3A_404 : i32
        %dma_start3A_406 = arith.constant 1 : i32
        %dma_start3A_407 = arith.constant 1 : i32
        %dma_start3A_408 = arith.constant 0 : i32
        %dma_start3A_409 = arith.constant 0 : i32
        %dma_start3A_410 = tpu.memref_slice %arg6[%dma_start3A_406, %dma_start3A_408, %dma_start3A_409] : memref<4x1x16384xf32, #tpu.memory_space<vmem>> -> memref<1x1x16384xf32, #tpu.memory_space<vmem>>
        %dma_start3A_411 = tpu.memref_squeeze %dma_start3A_410 : memref<1x1x16384xf32, #tpu.memory_space<vmem>> -> memref<1x16384xf32, #tpu.memory_space<vmem>>
        %dma_start3A_412 = arith.constant 0 : i32
        %dma_start3A_413 = tpu.memref_slice %arg5[%add3A_405, %dma_start3A_412] : memref<128x1xi32, #tpu.memory_space<vmem>> -> memref<1x1xi32, #tpu.memory_space<vmem>>
        %dma_start3A_414 = tpu.memref_squeeze %dma_start3A_413 : memref<1x1xi32, #tpu.memory_space<vmem>> -> memref<1xi32, #tpu.memory_space<vmem>>
        %dma_start3A_415 = arith.constant 0 : i32
        %dma_start3A_416 = arith.constant 0 : i32
        %dma_start3A_417 = tpu.memref_slice %arg3[%dma_start3A_415, %dma_start3A_416] : memref<2049x16384xf32, #tpu.memory_space<hbm>> -> memref<2049x16384xf32, #tpu.memory_space<hbm>>
        %dma_start3A_418 = tpu.memref_slice %arg7[%dma_start3A_407] : memref<4x!tpu.dma_semaphore, #tpu.memory_space<semaphore_mem>> -> memref<1x!tpu.dma_semaphore, #tpu.memory_space<semaphore_mem>>
        %dma_start3A_419 = tpu.memref_squeeze %dma_start3A_418 : memref<1x!tpu.dma_semaphore, #tpu.memory_space<semaphore_mem>> -> memref<!tpu.dma_semaphore, #tpu.memory_space<semaphore_mem>>
        tpu.enqueue_indirect_dma source(%dma_start3A_417 : memref<2049x16384xf32, #tpu.memory_space<hbm>>) target(%dma_start3A_411 : memref<1x16384xf32, #tpu.memory_space<vmem>>) offsets(%dma_start3A_414 : memref<1xi32, #tpu.memory_space<vmem>>) semaphore(%dma_start3A_419 : memref<!tpu.dma_semaphore, #tpu.memory_space<semaphore_mem>>)
        %add3A_420 = arith.constant 2 : i32
        %add3A_421 = arith.addi %mul3A_178, %add3A_420 : i32
        %mul3A_422 = arith.constant 1 : i32
        %mul3A_423 = arith.muli %add3A_421, %mul3A_422 : i32
        %add3A_424 = arith.addi %mul3A_32, %mul3A_423 : i32
        %dma_wait3A_425 = arith.constant 2 : i32
        %dma_wait3A_426 = arith.constant 2 : i32
        %dma_wait3A_427 = arith.constant 0 : i32
        %dma_wait3A_428 = arith.constant 0 : i32
        %dma_wait3A_429 = tpu.memref_slice %arg6[%dma_wait3A_425, %dma_wait3A_427, %dma_wait3A_428] : memref<4x1x16384xf32, #tpu.memory_space<vmem>> -> memref<1x1x16384xf32, #tpu.memory_space<vmem>>
        %dma_wait3A_430 = tpu.memref_squeeze %dma_wait3A_429 : memref<1x1x16384xf32, #tpu.memory_space<vmem>> -> memref<1x16384xf32, #tpu.memory_space<vmem>>
        %dma_wait3A_431 = arith.constant 0 : i32
        %dma_wait3A_432 = tpu.memref_slice %arg4[%select_n3A, %add3A_424, %dma_wait3A_431] : memref<2x2048x16384xf32, #tpu.memory_space<hbm>> -> memref<1x1x16384xf32, #tpu.memory_space<hbm>>
        %dma_wait3A_433 = tpu.memref_squeeze %dma_wait3A_432 : memref<1x1x16384xf32, #tpu.memory_space<hbm>> -> memref<1x16384xf32, #tpu.memory_space<hbm>>
        %dma_wait3A_434 = tpu.memref_slice %arg8[%dma_wait3A_426] : memref<4x!tpu.dma_semaphore, #tpu.memory_space<semaphore_mem>> -> memref<1x!tpu.dma_semaphore, #tpu.memory_space<semaphore_mem>>
        %dma_wait3A_435 = tpu.memref_squeeze %dma_wait3A_434 : memref<1x!tpu.dma_semaphore, #tpu.memory_space<semaphore_mem>> -> memref<!tpu.dma_semaphore, #tpu.memory_space<semaphore_mem>>
        %dma_wait3A_436 = arith.constant 0 : i32
        %dma_wait3A_437 = tpu.memref_slice %arg4[%select_n3A, %add3A_424, %dma_wait3A_436] : memref<2x2048x16384xf32, #tpu.memory_space<hbm>> -> memref<1x1x16384xf32, #tpu.memory_space<hbm>>
        %dma_wait3A_438 = tpu.memref_squeeze %dma_wait3A_437 : memref<1x1x16384xf32, #tpu.memory_space<hbm>> -> memref<1x16384xf32, #tpu.memory_space<hbm>>
        %dma_wait3A_439 = arith.constant 0 : i32
        %dma_wait3A_440 = arith.constant 0 : i32
        %dma_wait3A_441 = tpu.memref_slice %arg6[%dma_wait3A_425, %dma_wait3A_439, %dma_wait3A_440] : memref<4x1x16384xf32, #tpu.memory_space<vmem>> -> memref<1x1x16384xf32, #tpu.memory_space<vmem>>
        %dma_wait3A_442 = tpu.memref_squeeze %dma_wait3A_441 : memref<1x1x16384xf32, #tpu.memory_space<vmem>> -> memref<1x16384xf32, #tpu.memory_space<vmem>>
        tpu.wait_dma2 semaphore(%dma_wait3A_435 : memref<!tpu.dma_semaphore, #tpu.memory_space<semaphore_mem>>) src(%dma_wait3A_442 : memref<1x16384xf32, #tpu.memory_space<vmem>>) dst(%dma_wait3A_438 : memref<1x16384xf32, #tpu.memory_space<hbm>>)
        %add3A_443 = arith.constant 4 : i32
        %add3A_444 = arith.addi %mul3A_178, %add3A_443 : i32
        %add3A_445 = arith.constant 2 : i32
        %add3A_446 = arith.addi %add3A_444, %add3A_445 : i32
        %dma_start3A_447 = arith.constant 2 : i32
        %dma_start3A_448 = arith.constant 2 : i32
        %dma_start3A_449 = arith.constant 0 : i32
        %dma_start3A_450 = arith.constant 0 : i32
        %dma_start3A_451 = tpu.memref_slice %arg6[%dma_start3A_447, %dma_start3A_449, %dma_start3A_450] : memref<4x1x16384xf32, #tpu.memory_space<vmem>> -> memref<1x1x16384xf32, #tpu.memory_space<vmem>>
        %dma_start3A_452 = tpu.memref_squeeze %dma_start3A_451 : memref<1x1x16384xf32, #tpu.memory_space<vmem>> -> memref<1x16384xf32, #tpu.memory_space<vmem>>
        %dma_start3A_453 = arith.constant 0 : i32
        %dma_start3A_454 = tpu.memref_slice %arg5[%add3A_446, %dma_start3A_453] : memref<128x1xi32, #tpu.memory_space<vmem>> -> memref<1x1xi32, #tpu.memory_space<vmem>>
        %dma_start3A_455 = tpu.memref_squeeze %dma_start3A_454 : memref<1x1xi32, #tpu.memory_space<vmem>> -> memref<1xi32, #tpu.memory_space<vmem>>
        %dma_start3A_456 = arith.constant 0 : i32
        %dma_start3A_457 = arith.constant 0 : i32
        %dma_start3A_458 = tpu.memref_slice %arg3[%dma_start3A_456, %dma_start3A_457] : memref<2049x16384xf32, #tpu.memory_space<hbm>> -> memref<2049x16384xf32, #tpu.memory_space<hbm>>
        %dma_start3A_459 = tpu.memref_slice %arg7[%dma_start3A_448] : memref<4x!tpu.dma_semaphore, #tpu.memory_space<semaphore_mem>> -> memref<1x!tpu.dma_semaphore, #tpu.memory_space<semaphore_mem>>
        %dma_start3A_460 = tpu.memref_squeeze %dma_start3A_459 : memref<1x!tpu.dma_semaphore, #tpu.memory_space<semaphore_mem>> -> memref<!tpu.dma_semaphore, #tpu.memory_space<semaphore_mem>>
        tpu.enqueue_indirect_dma source(%dma_start3A_458 : memref<2049x16384xf32, #tpu.memory_space<hbm>>) target(%dma_start3A_452 : memref<1x16384xf32, #tpu.memory_space<vmem>>) offsets(%dma_start3A_455 : memref<1xi32, #tpu.memory_space<vmem>>) semaphore(%dma_start3A_460 : memref<!tpu.dma_semaphore, #tpu.memory_space<semaphore_mem>>)
        %add3A_461 = arith.constant 3 : i32
        %add3A_462 = arith.addi %mul3A_178, %add3A_461 : i32
        %mul3A_463 = arith.constant 1 : i32
        %mul3A_464 = arith.muli %add3A_462, %mul3A_463 : i32
        %add3A_465 = arith.addi %mul3A_32, %mul3A_464 : i32
        %dma_wait3A_466 = arith.constant 3 : i32
        %dma_wait3A_467 = arith.constant 3 : i32
        %dma_wait3A_468 = arith.constant 0 : i32
        %dma_wait3A_469 = arith.constant 0 : i32
        %dma_wait3A_470 = tpu.memref_slice %arg6[%dma_wait3A_466, %dma_wait3A_468, %dma_wait3A_469] : memref<4x1x16384xf32, #tpu.memory_space<vmem>> -> memref<1x1x16384xf32, #tpu.memory_space<vmem>>
        %dma_wait3A_471 = tpu.memref_squeeze %dma_wait3A_470 : memref<1x1x16384xf32, #tpu.memory_space<vmem>> -> memref<1x16384xf32, #tpu.memory_space<vmem>>
        %dma_wait3A_472 = arith.constant 0 : i32
        %dma_wait3A_473 = tpu.memref_slice %arg4[%select_n3A, %add3A_465, %dma_wait3A_472] : memref<2x2048x16384xf32, #tpu.memory_space<hbm>> -> memref<1x1x16384xf32, #tpu.memory_space<hbm>>
        %dma_wait3A_474 = tpu.memref_squeeze %dma_wait3A_473 : memref<1x1x16384xf32, #tpu.memory_space<hbm>> -> memref<1x16384xf32, #tpu.memory_space<hbm>>
        %dma_wait3A_475 = tpu.memref_slice %arg8[%dma_wait3A_467] : memref<4x!tpu.dma_semaphore, #tpu.memory_space<semaphore_mem>> -> memref<1x!tpu.dma_semaphore, #tpu.memory_space<semaphore_mem>>
        %dma_wait3A_476 = tpu.memref_squeeze %dma_wait3A_475 : memref<1x!tpu.dma_semaphore, #tpu.memory_space<semaphore_mem>> -> memref<!tpu.dma_semaphore, #tpu.memory_space<semaphore_mem>>
        %dma_wait3A_477 = arith.constant 0 : i32
        %dma_wait3A_478 = tpu.memref_slice %arg4[%select_n3A, %add3A_465, %dma_wait3A_477] : memref<2x2048x16384xf32, #tpu.memory_space<hbm>> -> memref<1x1x16384xf32, #tpu.memory_space<hbm>>
        %dma_wait3A_479 = tpu.memref_squeeze %dma_wait3A_478 : memref<1x1x16384xf32, #tpu.memory_space<hbm>> -> memref<1x16384xf32, #tpu.memory_space<hbm>>
        %dma_wait3A_480 = arith.constant 0 : i32
        %dma_wait3A_481 = arith.constant 0 : i32
        %dma_wait3A_482 = tpu.memref_slice %arg6[%dma_wait3A_466, %dma_wait3A_480, %dma_wait3A_481] : memref<4x1x16384xf32, #tpu.memory_space<vmem>> -> memref<1x1x16384xf32, #tpu.memory_space<vmem>>
        %dma_wait3A_483 = tpu.memref_squeeze %dma_wait3A_482 : memref<1x1x16384xf32, #tpu.memory_space<vmem>> -> memref<1x16384xf32, #tpu.memory_space<vmem>>
        tpu.wait_dma2 semaphore(%dma_wait3A_476 : memref<!tpu.dma_semaphore, #tpu.memory_space<semaphore_mem>>) src(%dma_wait3A_483 : memref<1x16384xf32, #tpu.memory_space<vmem>>) dst(%dma_wait3A_479 : memref<1x16384xf32, #tpu.memory_space<hbm>>)
        %add3A_484 = arith.constant 4 : i32
        %add3A_485 = arith.addi %mul3A_178, %add3A_484 : i32
        %add3A_486 = arith.constant 3 : i32
        %add3A_487 = arith.addi %add3A_485, %add3A_486 : i32
        %dma_start3A_488 = arith.constant 3 : i32
        %dma_start3A_489 = arith.constant 3 : i32
        %dma_start3A_490 = arith.constant 0 : i32
        %dma_start3A_491 = arith.constant 0 : i32
        %dma_start3A_492 = tpu.memref_slice %arg6[%dma_start3A_488, %dma_start3A_490, %dma_start3A_491] : memref<4x1x16384xf32, #tpu.memory_space<vmem>> -> memref<1x1x16384xf32, #tpu.memory_space<vmem>>
        %dma_start3A_493 = tpu.memref_squeeze %dma_start3A_492 : memref<1x1x16384xf32, #tpu.memory_space<vmem>> -> memref<1x16384xf32, #tpu.memory_space<vmem>>
        %dma_start3A_494 = arith.constant 0 : i32
        %dma_start3A_495 = tpu.memref_slice %arg5[%add3A_487, %dma_start3A_494] : memref<128x1xi32, #tpu.memory_space<vmem>> -> memref<1x1xi32, #tpu.memory_space<vmem>>
        %dma_start3A_496 = tpu.memref_squeeze %dma_start3A_495 : memref<1x1xi32, #tpu.memory_space<vmem>> -> memref<1xi32, #tpu.memory_space<vmem>>
        %dma_start3A_497 = arith.constant 0 : i32
        %dma_start3A_498 = arith.constant 0 : i32
        %dma_start3A_499 = tpu.memref_slice %arg3[%dma_start3A_497, %dma_start3A_498] : memref<2049x16384xf32, #tpu.memory_space<hbm>> -> memref<2049x16384xf32, #tpu.memory_space<hbm>>
        %dma_start3A_500 = tpu.memref_slice %arg7[%dma_start3A_489] : memref<4x!tpu.dma_semaphore, #tpu.memory_space<semaphore_mem>> -> memref<1x!tpu.dma_semaphore, #tpu.memory_space<semaphore_mem>>
        %dma_start3A_501 = tpu.memref_squeeze %dma_start3A_500 : memref<1x!tpu.dma_semaphore, #tpu.memory_space<semaphore_mem>> -> memref<!tpu.dma_semaphore, #tpu.memory_space<semaphore_mem>>
        tpu.enqueue_indirect_dma source(%dma_start3A_499 : memref<2049x16384xf32, #tpu.memory_space<hbm>>) target(%dma_start3A_493 : memref<1x16384xf32, #tpu.memory_space<vmem>>) offsets(%dma_start3A_496 : memref<1xi32, #tpu.memory_space<vmem>>) semaphore(%dma_start3A_501 : memref<!tpu.dma_semaphore, #tpu.memory_space<semaphore_mem>>)
      } else {
      }
    }
    %scan3A_96 = arith.constant 32 : i32
    %add3A_97 = arith.constant 124 : i32
    %add3A_98 = arith.addi %mul3A_32, %add3A_97 : i32
    %dma_wait3A = arith.constant 0 : i32
    %dma_wait3A_99 = arith.constant 0 : i32
    %dma_wait3A_100 = arith.constant 0 : i32
    %dma_wait3A_101 = arith.constant 0 : i32
    %dma_wait3A_102 = tpu.memref_slice %arg6[%dma_wait3A, %dma_wait3A_100, %dma_wait3A_101] : memref<4x1x16384xf32, #tpu.memory_space<vmem>> -> memref<1x1x16384xf32, #tpu.memory_space<vmem>>
    %dma_wait3A_103 = tpu.memref_squeeze %dma_wait3A_102 : memref<1x1x16384xf32, #tpu.memory_space<vmem>> -> memref<1x16384xf32, #tpu.memory_space<vmem>>
    %dma_wait3A_104 = arith.constant 0 : i32
    %dma_wait3A_105 = tpu.memref_slice %arg4[%select_n3A, %add3A_98, %dma_wait3A_104] : memref<2x2048x16384xf32, #tpu.memory_space<hbm>> -> memref<1x1x16384xf32, #tpu.memory_space<hbm>>
    %dma_wait3A_106 = tpu.memref_squeeze %dma_wait3A_105 : memref<1x1x16384xf32, #tpu.memory_space<hbm>> -> memref<1x16384xf32, #tpu.memory_space<hbm>>
    %dma_wait3A_107 = tpu.memref_slice %arg8[%dma_wait3A_99] : memref<4x!tpu.dma_semaphore, #tpu.memory_space<semaphore_mem>> -> memref<1x!tpu.dma_semaphore, #tpu.memory_space<semaphore_mem>>
    %dma_wait3A_108 = tpu.memref_squeeze %dma_wait3A_107 : memref<1x!tpu.dma_semaphore, #tpu.memory_space<semaphore_mem>> -> memref<!tpu.dma_semaphore, #tpu.memory_space<semaphore_mem>>
    %dma_wait3A_109 = arith.constant 0 : i32
    %dma_wait3A_110 = tpu.memref_slice %arg4[%select_n3A, %add3A_98, %dma_wait3A_109] : memref<2x2048x16384xf32, #tpu.memory_space<hbm>> -> memref<1x1x16384xf32, #tpu.memory_space<hbm>>
    %dma_wait3A_111 = tpu.memref_squeeze %dma_wait3A_110 : memref<1x1x16384xf32, #tpu.memory_space<hbm>> -> memref<1x16384xf32, #tpu.memory_space<hbm>>
    %dma_wait3A_112 = arith.constant 0 : i32
    %dma_wait3A_113 = arith.constant 0 : i32
    %dma_wait3A_114 = tpu.memref_slice %arg6[%dma_wait3A, %dma_wait3A_112, %dma_wait3A_113] : memref<4x1x16384xf32, #tpu.memory_space<vmem>> -> memref<1x1x16384xf32, #tpu.memory_space<vmem>>
    %dma_wait3A_115 = tpu.memref_squeeze %dma_wait3A_114 : memref<1x1x16384xf32, #tpu.memory_space<vmem>> -> memref<1x16384xf32, #tpu.memory_space<vmem>>
    tpu.wait_dma2 semaphore(%dma_wait3A_108 : memref<!tpu.dma_semaphore, #tpu.memory_space<semaphore_mem>>) src(%dma_wait3A_115 : memref<1x16384xf32, #tpu.memory_space<vmem>>) dst(%dma_wait3A_111 : memref<1x16384xf32, #tpu.memory_space<hbm>>)
    %add3A_116 = arith.constant 125 : i32
    %add3A_117 = arith.addi %mul3A_32, %add3A_116 : i32
    %dma_wait3A_118 = arith.constant 1 : i32
    %dma_wait3A_119 = arith.constant 1 : i32
    %dma_wait3A_120 = arith.constant 0 : i32
    %dma_wait3A_121 = arith.constant 0 : i32
    %dma_wait3A_122 = tpu.memref_slice %arg6[%dma_wait3A_118, %dma_wait3A_120, %dma_wait3A_121] : memref<4x1x16384xf32, #tpu.memory_space<vmem>> -> memref<1x1x16384xf32, #tpu.memory_space<vmem>>
    %dma_wait3A_123 = tpu.memref_squeeze %dma_wait3A_122 : memref<1x1x16384xf32, #tpu.memory_space<vmem>> -> memref<1x16384xf32, #tpu.memory_space<vmem>>
    %dma_wait3A_124 = arith.constant 0 : i32
    %dma_wait3A_125 = tpu.memref_slice %arg4[%select_n3A, %add3A_117, %dma_wait3A_124] : memref<2x2048x16384xf32, #tpu.memory_space<hbm>> -> memref<1x1x16384xf32, #tpu.memory_space<hbm>>
    %dma_wait3A_126 = tpu.memref_squeeze %dma_wait3A_125 : memref<1x1x16384xf32, #tpu.memory_space<hbm>> -> memref<1x16384xf32, #tpu.memory_space<hbm>>
    %dma_wait3A_127 = tpu.memref_slice %arg8[%dma_wait3A_119] : memref<4x!tpu.dma_semaphore, #tpu.memory_space<semaphore_mem>> -> memref<1x!tpu.dma_semaphore, #tpu.memory_space<semaphore_mem>>
    %dma_wait3A_128 = tpu.memref_squeeze %dma_wait3A_127 : memref<1x!tpu.dma_semaphore, #tpu.memory_space<semaphore_mem>> -> memref<!tpu.dma_semaphore, #tpu.memory_space<semaphore_mem>>
    %dma_wait3A_129 = arith.constant 0 : i32
    %dma_wait3A_130 = tpu.memref_slice %arg4[%select_n3A, %add3A_117, %dma_wait3A_129] : memref<2x2048x16384xf32, #tpu.memory_space<hbm>> -> memref<1x1x16384xf32, #tpu.memory_space<hbm>>
    %dma_wait3A_131 = tpu.memref_squeeze %dma_wait3A_130 : memref<1x1x16384xf32, #tpu.memory_space<hbm>> -> memref<1x16384xf32, #tpu.memory_space<hbm>>
    %dma_wait3A_132 = arith.constant 0 : i32
    %dma_wait3A_133 = arith.constant 0 : i32
    %dma_wait3A_134 = tpu.memref_slice %arg6[%dma_wait3A_118, %dma_wait3A_132, %dma_wait3A_133] : memref<4x1x16384xf32, #tpu.memory_space<vmem>> -> memref<1x1x16384xf32, #tpu.memory_space<vmem>>
    %dma_wait3A_135 = tpu.memref_squeeze %dma_wait3A_134 : memref<1x1x16384xf32, #tpu.memory_space<vmem>> -> memref<1x16384xf32, #tpu.memory_space<vmem>>
    tpu.wait_dma2 semaphore(%dma_wait3A_128 : memref<!tpu.dma_semaphore, #tpu.memory_space<semaphore_mem>>) src(%dma_wait3A_135 : memref<1x16384xf32, #tpu.memory_space<vmem>>) dst(%dma_wait3A_131 : memref<1x16384xf32, #tpu.memory_space<hbm>>)
    %add3A_136 = arith.constant 126 : i32
    %add3A_137 = arith.addi %mul3A_32, %add3A_136 : i32
    %dma_wait3A_138 = arith.constant 2 : i32
    %dma_wait3A_139 = arith.constant 2 : i32
    %dma_wait3A_140 = arith.constant 0 : i32
    %dma_wait3A_141 = arith.constant 0 : i32
    %dma_wait3A_142 = tpu.memref_slice %arg6[%dma_wait3A_138, %dma_wait3A_140, %dma_wait3A_141] : memref<4x1x16384xf32, #tpu.memory_space<vmem>> -> memref<1x1x16384xf32, #tpu.memory_space<vmem>>
    %dma_wait3A_143 = tpu.memref_squeeze %dma_wait3A_142 : memref<1x1x16384xf32, #tpu.memory_space<vmem>> -> memref<1x16384xf32, #tpu.memory_space<vmem>>
    %dma_wait3A_144 = arith.constant 0 : i32
    %dma_wait3A_145 = tpu.memref_slice %arg4[%select_n3A, %add3A_137, %dma_wait3A_144] : memref<2x2048x16384xf32, #tpu.memory_space<hbm>> -> memref<1x1x16384xf32, #tpu.memory_space<hbm>>
    %dma_wait3A_146 = tpu.memref_squeeze %dma_wait3A_145 : memref<1x1x16384xf32, #tpu.memory_space<hbm>> -> memref<1x16384xf32, #tpu.memory_space<hbm>>
    %dma_wait3A_147 = tpu.memref_slice %arg8[%dma_wait3A_139] : memref<4x!tpu.dma_semaphore, #tpu.memory_space<semaphore_mem>> -> memref<1x!tpu.dma_semaphore, #tpu.memory_space<semaphore_mem>>
    %dma_wait3A_148 = tpu.memref_squeeze %dma_wait3A_147 : memref<1x!tpu.dma_semaphore, #tpu.memory_space<semaphore_mem>> -> memref<!tpu.dma_semaphore, #tpu.memory_space<semaphore_mem>>
    %dma_wait3A_149 = arith.constant 0 : i32
    %dma_wait3A_150 = tpu.memref_slice %arg4[%select_n3A, %add3A_137, %dma_wait3A_149] : memref<2x2048x16384xf32, #tpu.memory_space<hbm>> -> memref<1x1x16384xf32, #tpu.memory_space<hbm>>
    %dma_wait3A_151 = tpu.memref_squeeze %dma_wait3A_150 : memref<1x1x16384xf32, #tpu.memory_space<hbm>> -> memref<1x16384xf32, #tpu.memory_space<hbm>>
    %dma_wait3A_152 = arith.constant 0 : i32
    %dma_wait3A_153 = arith.constant 0 : i32
    %dma_wait3A_154 = tpu.memref_slice %arg6[%dma_wait3A_138, %dma_wait3A_152, %dma_wait3A_153] : memref<4x1x16384xf32, #tpu.memory_space<vmem>> -> memref<1x1x16384xf32, #tpu.memory_space<vmem>>
    %dma_wait3A_155 = tpu.memref_squeeze %dma_wait3A_154 : memref<1x1x16384xf32, #tpu.memory_space<vmem>> -> memref<1x16384xf32, #tpu.memory_space<vmem>>
    tpu.wait_dma2 semaphore(%dma_wait3A_148 : memref<!tpu.dma_semaphore, #tpu.memory_space<semaphore_mem>>) src(%dma_wait3A_155 : memref<1x16384xf32, #tpu.memory_space<vmem>>) dst(%dma_wait3A_151 : memref<1x16384xf32, #tpu.memory_space<hbm>>)
    %add3A_156 = arith.constant 127 : i32
    %add3A_157 = arith.addi %mul3A_32, %add3A_156 : i32
    %dma_wait3A_158 = arith.constant 3 : i32
    %dma_wait3A_159 = arith.constant 3 : i32
    %dma_wait3A_160 = arith.constant 0 : i32
    %dma_wait3A_161 = arith.constant 0 : i32
    %dma_wait3A_162 = tpu.memref_slice %arg6[%dma_wait3A_158, %dma_wait3A_160, %dma_wait3A_161] : memref<4x1x16384xf32, #tpu.memory_space<vmem>> -> memref<1x1x16384xf32, #tpu.memory_space<vmem>>
    %dma_wait3A_163 = tpu.memref_squeeze %dma_wait3A_162 : memref<1x1x16384xf32, #tpu.memory_space<vmem>> -> memref<1x16384xf32, #tpu.memory_space<vmem>>
    %dma_wait3A_164 = arith.constant 0 : i32
    %dma_wait3A_165 = tpu.memref_slice %arg4[%select_n3A, %add3A_157, %dma_wait3A_164] : memref<2x2048x16384xf32, #tpu.memory_space<hbm>> -> memref<1x1x16384xf32, #tpu.memory_space<hbm>>
    %dma_wait3A_166 = tpu.memref_squeeze %dma_wait3A_165 : memref<1x1x16384xf32, #tpu.memory_space<hbm>> -> memref<1x16384xf32, #tpu.memory_space<hbm>>
    %dma_wait3A_167 = tpu.memref_slice %arg8[%dma_wait3A_159] : memref<4x!tpu.dma_semaphore, #tpu.memory_space<semaphore_mem>> -> memref<1x!tpu.dma_semaphore, #tpu.memory_space<semaphore_mem>>
    %dma_wait3A_168 = tpu.memref_squeeze %dma_wait3A_167 : memref<1x!tpu.dma_semaphore, #tpu.memory_space<semaphore_mem>> -> memref<!tpu.dma_semaphore, #tpu.memory_space<semaphore_mem>>
    %dma_wait3A_169 = arith.constant 0 : i32
    %dma_wait3A_170 = tpu.memref_slice %arg4[%select_n3A, %add3A_157, %dma_wait3A_169] : memref<2x2048x16384xf32, #tpu.memory_space<hbm>> -> memref<1x1x16384xf32, #tpu.memory_space<hbm>>
    %dma_wait3A_171 = tpu.memref_squeeze %dma_wait3A_170 : memref<1x1x16384xf32, #tpu.memory_space<hbm>> -> memref<1x16384xf32, #tpu.memory_space<hbm>>
    %dma_wait3A_172 = arith.constant 0 : i32
    %dma_wait3A_173 = arith.constant 0 : i32
    %dma_wait3A_174 = tpu.memref_slice %arg6[%dma_wait3A_158, %dma_wait3A_172, %dma_wait3A_173] : memref<4x1x16384xf32, #tpu.memory_space<vmem>> -> memref<1x1x16384xf32, #tpu.memory_space<vmem>>
    %dma_wait3A_175 = tpu.memref_squeeze %dma_wait3A_174 : memref<1x1x16384xf32, #tpu.memory_space<vmem>> -> memref<1x16384xf32, #tpu.memory_space<vmem>>
    tpu.wait_dma2 semaphore(%dma_wait3A_168 : memref<!tpu.dma_semaphore, #tpu.memory_space<semaphore_mem>>) src(%dma_wait3A_175 : memref<1x16384xf32, #tpu.memory_space<vmem>>) dst(%dma_wait3A_171 : memref<1x16384xf32, #tpu.memory_space<hbm>>)
    return
  }
}

</mosaic_0001>

<sc_bundles>
// kernel: _sc_gather.3.cloned.1.call-start
scs
__scs_entry_jumppad:
0x0: {  	(pc) =	sbr.rel $0x88, $3  }
0x1: {  	(tag) =	ssettag $0x0;
	lr =	simm.s32 $0x1  }
0x2: {  	[smem:$0x3F9F] =	sst lr;
	_ =	strace $0xD0000000  }
0x3: {  	_ = 	snop  }
0x4: {  	_ = 	snop  }
0x5: {  	_ = 	snop  }
0x6: {  	_ = 	snop  }
0x7: {  	_ = 	snop  }
__scs_overlays_trampoline_lowered:
0x8: {  	[smem:$0x3FAE] =	sst s0  }
0x9: {  	[smem:$0x3FAF] =	sst s1  }
0xa: {  	[smem:$0x3FB0] =	sst s2  }
0xb: {  	[smem:$0x3FB1] =	sst s3  }
0xc: {  	[smem:$0x3FB2] =	sst s4  }
0xd: {  	[smem:$0x3FB3] =	sst s5  }
0xe: {  	[smem:$0x3FB4] =	sst s6  }
0xf: {  	[smem:$0x3FB5] =	sst s7  }
0x10: {  	[smem:$0x3FB6] =	sst s8  }
0x11: {  	[smem:$0x3FB7] =	sst s9;
	s0 =	simm.s32 @!p0 $0x0  }
0x12: {  	s1 =	sld [smem:$0x3F9D];
	s0 =	simm.s32 @p0 $0x1  }
0x13: {  	[smem:$0x3FB8] =	sst s0;
	s0 =	simm.s32 @!p1 $0x0  }
0x14: {  	s2 =	sld [smem:$0x3F9C];
	s0 =	simm.s32 @p1 $0x1  }
0x15: {  	[smem:$0x3FB9] =	sst s0;
	s0 =	simm.s32 @!p2 $0x0  }
0x16: {  	s3 =	sld [smem:$0x3FDB];
	s0 =	simm.s32 @p2 $0x1  }
0x17: {  	s4 =	simm.s32 $0x1BF5;
	[smem:$0x3FBB] =	sst s0  }
0x18: {  	s0 =	sld [smem:$0x3F9E];
	_ =	swait.ge [sflag:s4], $0x0  }
0x19: {  	s7 =	sld [smem:$0x3F9F]  }
0x1a: {  	s8 =	sadd.s32 $0xFFFFE003, lr  }
0x1b: {  	s9 =	sadd.s32 $0xFFFFFEF7, lr;
	s5 =	simm.s32 $0xFFFFFFFF;
	p2 =	slt.u32 s8, $0xFFFFF086  }
0x1c: {  	p1 =	slt.u32 s9, $0xF7A;
	s5 =	simm.s32 @!p2 $0x0  }
0x1d: {  	s5 =	simm.s32 @p1 $0x1;
	p0 =	seq.s32 s7, s2  }
0x1e: {  	s7 =	smul.u32 @!p0 $0xF7A, s2;
	p2 =	seq.s32 @!p0 s5, $0x0  }
0x1f: {  	s9 =	smul.u32 $0xF7A, s1;
	s8 =	simm.s32 @!p0 $0x1BF5;
	p2 =	por !p2, p0  }
0x20: {  	[sflag:s8] =	ssyncset.s32 @!p0 $0xFFFFF086;
	s6 =	sadd.s32 @!p0 s3, s7;
	s7 =	simm.s32 @!p0 $0x108  }
0x21: {  	s3 =	sadd.s32 s3, s9;
	s6 =	sadd.s32 @!p0 $0x88, s6;
	s7 =	simm.s32 @p2 $0x1082  }
0x22: {  	[simem:s7], [sflag:s8] =	dma.local @!p0 [hbm:s6], $0xF7A  }
0x23: {  	s9 =	sor.u32 $0xD0000000, s2;
	s6 =	simm.s32 $0x108;
	_ =	swait.ge @!p0 [sflag:s8], $0x0  }
0x24: {  	s3 =	sadd.s32 $0x88, s3;
	s6 =	simm.s32 @!p1 $0x1082;
	[sflag:s4] =	ssyncset.s32 $0xFFFFF086  }
0x25: {  	[simem:s6], [sflag:s4] =	dma.local [hbm:s3], $0xF7A  }
0x26: {  	[smem:$0x3F9F] =	sst s1;
	(tag) =	ssettag s2;
	_ =	strace s9  }
0x27: {  	s1 =	sld [smem:$0x3FAF]  }
0x28: {  	s2 =	sld [smem:$0x3FB0]  }
0x29: {  	s4 =	sld [smem:$0x3FB2]  }
0x2a: {  	p0 =	seq.s32 s5, $0x0;
	s5 =	sld [smem:$0x3FB3]  }
0x2b: {  	s6 =	sld [smem:$0x3FB4]  }
0x2c: {  	s7 =	sld [smem:$0x3FB5]  }
0x2d: {  	s3 =	simm.s32 $0x108;
	s8 =	sld [smem:$0x3FB6]  }
0x2e: {  	s3 =	simm.s32 @!p0 $0x1082;
	s9 =	sld [smem:$0x3FB7]  }
0x2f: {  	lr =	sadd.s32 s0, s3;
	s0 =	sld [smem:$0x3FAE]  }
0x30: {  	s3 =	sld [smem:$0x3FB1]  }
0x31: {  	[smem:$0x3FBA] =	sst s10  }
0x32: {  	s10 =	sld [smem:$0x3FB8];
	_ =	sdelay $0x3  }
0x33: {  	p0 =	seq.s32 s10, $0x1;
	s10 =	sld [smem:$0x3FBA];
	_ =	sdelay $0x3  }
0x34: {  	[smem:$0x3FBA] =	sst s10  }
0x35: {  	s10 =	sld [smem:$0x3FB9];
	_ =	sdelay $0x3  }
0x36: {  	p1 =	seq.s32 s10, $0x1;
	s10 =	sld [smem:$0x3FBA];
	_ =	sdelay $0x3  }
0x37: {  	[smem:$0x3FBA] =	sst s10  }
0x38: {  	s10 =	sld [smem:$0x3FBB]  }
0x39: {  	_ = 	snop;
	(pc) =	sbr.ind lr, $3  }
0x3a: {  	_ = 	snop  }
0x3b: {  	_ = 	snop  }
0x3c: {  	p2 =	seq.s32 s10, $0x1;
	s10 =	sld [smem:$0x3FBA]  }
0x3d: {  	_ =	shalt  }
0x3e: {  	_ =	shalt  }
0x3f: {  	_ =	shalt  }
0x40: {  	_ =	shalt  }
0x41: {  	_ =	shalt  }
0x42: {  	_ =	shalt  }
0x43: {  	_ =	shalt  }
0x44: {  	_ =	shalt  }
0x45: {  	_ =	shalt  }
0x46: {  	_ =	shalt  }
0x47: {  	_ =	shalt  }
0x48: {  	_ =	shalt  }
0x49: {  	_ =	shalt  }
0x4a: {  	_ =	shalt  }
0x4b: {  	_ =	shalt  }
0x4c: {  	_ =	shalt  }
0x4d: {  	_ =	shalt  }
0x4e: {  	_ =	shalt  }
0x4f: {  	_ =	shalt  }
0x50: {  	_ =	shalt  }
0x51: {  	_ =	shalt  }
0x52: {  	_ =	shalt  }
0x53: {  	_ =	shalt  }
0x54: {  	_ =	shalt  }
0x55: {  	_ =	shalt  }
0x56: {  	_ =	shalt  }
0x57: {  	_ =	shalt  }
0x58: {  	_ =	shalt  }
0x59: {  	_ =	shalt  }
0x5a: {  	_ =	shalt  }
0x5b: {  	_ =	shalt  }
0x5c: {  	_ =	shalt  }
0x5d: {  	_ =	shalt  }
0x5e: {  	_ =	shalt  }
0x5f: {  	_ =	shalt  }
0x60: {  	_ =	shalt  }
0x61: {  	_ =	shalt  }
0x62: {  	_ =	shalt  }
0x63: {  	_ =	shalt  }
0x64: {  	_ =	shalt  }
0x65: {  	_ =	shalt  }
0x66: {  	_ =	shalt  }
0x67: {  	_ =	shalt  }
0x68: {  	_ =	shalt  }
0x69: {  	_ =	shalt  }
0x6a: {  	_ =	shalt  }
0x6b: {  	_ =	shalt  }
0x6c: {  	_ =	shalt  }
0x6d: {  	_ =	shalt  }
0x6e: {  	_ =	shalt  }
0x6f: {  	_ =	shalt  }
0x70: {  	_ =	shalt  }
0x71: {  	_ =	shalt  }
0x72: {  	_ =	shalt  }
0x73: {  	_ =	shalt  }
0x74: {  	_ =	shalt  }
0x75: {  	_ =	shalt  }
0x76: {  	_ =	shalt  }
0x77: {  	_ =	shalt  }
0x78: {  	_ =	shalt  }
0x79: {  	_ =	shalt  }
0x7a: {  	_ =	shalt  }
0x7b: {  	_ =	shalt  }
0x7c: {  	_ =	shalt  }
0x7d: {  	_ =	shalt  }
0x7e: {  	_ =	shalt  }
0x7f: {  	_ =	shalt  }
0x80: {  	_ =	shalt  }
0x81: {  	_ =	shalt  }
0x82: {  	_ =	shalt  }
0x83: {  	_ =	shalt  }
0x84: {  	_ =	shalt  }
0x85: {  	_ =	shalt  }
0x86: {  	_ =	shalt  }
0x87: {  	_ =	shalt  }
.Lfunc_end0:
.L_simem_size_0:
called_computation_lowered:
.L_overlay_start_0:
0x88: {  	s2 =	sld [smem:$0x3FD9]  }
0x89: {  	s3 =	sld [smem:$0x3FFE];
	_ =	sdelay $0x1  }
0x8a: {  	s1 =	srdreg.scid  }
0x8b: {  	s0 =	sand.u32 $0x1, s1  }
0x8c: {  	s17 =	sshll.u32 s0, $0xA;
	s2 =	sadd.s32 s3, s2  }
0x8d: {  	s2 =	sadd.s32 s2, s17  }
0x8e: {  	[smem:$0x3FC6] =	sst s2  }
0x8f: {  	_ = 	snop  }
0x90: {  	s2 =	sld [smem:$0x3FC8]  }
0x91: {  	s18 =	sld [smem:$0x3FD0];
	(tm) =	ssettm $0x1  }
0x92: {  	s4 =	sld [smem:$0x3FFB];
	_ =	sdelay $0x3  }
0x93: {  	_ =	strace s4  }
0x94: {  	s4 =	sld [smem:$0x3FFC];
	_ =	sdelay $0x3  }
0x95: {  	_ =	strace s4  }
0x96: {  	s4 =	sld [smem:$0x3FFD];
	_ =	sdelay $0x3  }
0x97: {  	_ =	strace s4  }
0x98: {  	_ =	strace $0x8FFFFFFF  }
0x99: {  	s19 =	sld [smem:$0x3FDB];
	_ =	sdelay $0x1  }
0x9a: {  	s5 =	simm.s32 $_scs_section_size  }
0x9b: {  	s6 =	simm.s32 $_size__tile_overlayer_lowered;
	s7 =	simm.s32 $_tile_overlayer_lowered  }
0x9c: {  	s22 =	simm.s32 $0x1BFF;
	s21 =	sshll.u32 s7, $0x1;
	s4 =	sadd.s32 s5, s19  }
0x9d: {  	s8 =	simm.s32 $0x0;
	s20 =	sshll.u32 s6, $0x1;
	s6 =	sadd.s32 s21, s4  }
0x9e: {  	[timem:s8], [sflag:s22] =	dma.local [hbm:s6], s20  }
0x9f: {  	_ =	swait.ge [sflag:s22], s20  }
0xa0: {  	s5 =	ssub.s32 $0x0, s20;
	[sflag:s22] =	ssyncset.done $0x0  }
0xa1: {  	[sflag:s22] =	ssyncadd.s32 s5;
	_ =	sdelay $0x1  }
0xa2: {  	s23 =	simm.s32 $0x1B8B  }
0xa3: {  	_ =	swait.ge [sflag:s23], $0x1  }
0xa4: {  	[sflag:s23] =	ssyncset.done $0x0  }
0xa5: {  	s25 =	simm.s32 $0x1B8E;
	s24 =	sld [smem:$0x3FFE];
	[sflag:s23] =	ssyncadd.s32 $0xFFFFFFFF  }
0xa6: {  	s26 =	simm.s32 $execute0_lowered;
	[smem:$0x3FD2] =	sst s25  }
0xa7: {  	s6 =	sshll.u32 s26, $0x1;
	_ =	strace $0x80000046;
	[dreg:$0x1] =	wrdreg $0xFFFFFFFF  }
0xa8: {  	s28 =	simm.s32 $_size_execute0_lowered;
	s4 =	sadd.s32 s4, s6;
	[dreg:$0x0] =	wrdreg $0x0  }
0xa9: {  	s6 =	sshll.u32 s28, $0x1;
	[dreg:$0x2] =	wrdreg s4  }
0xaa: {  	[dreg:$0x3] =	wrdreg s6  }
0xab: {  	[dreg:$0x4] =	wrdreg $0xC0  }
0xac: {  	_ =	task [dreg:s8], $0x5FFFF  }
0xad: {  	[dreg:$0x1] =	wrdreg $0xFFFFFFFF  }
0xae: {  	[dreg:$0x0] =	wrdreg $0x60  }
0xaf: {  	[dreg:$0x2] =	wrdreg s24  }
0xb0: {  	[dreg:$0x3] =	wrdreg s2  }
0xb1: {  	[dreg:$0x4] =	wrdreg s18  }
0xb2: {  	[dreg:$0x5] =	wrdreg $0x9  }
0xb3: {  	_ =	task.clear_ibuf [dreg:s8], $0x6FFFF;
	_ =	strace $0x90000046  }
0xb4: {  	s29 =	simm.s32 $0x9;
	_ =	strace $0x80000048  }
0xb5: {  	_ =	swait.ge [sflag:s29], $0x1  }
0xb6: {  	[sflag:s29] =	ssyncadd.s32 $0xFFFFFFFF  }
0xb7: {  	_ =	strace $0x90000048  }
0xb8: {  	_ =	sfence  }
0xb9: {  	s30 =	sld [smem:$0x0];
	_ =	sdelay $0x2  }
0xba: {  	s31 =	sshll.u32 s1, $0xD;
	s1 =	sshrl.u32 s1, $0x2  }
0xbb: {  	s3 =	sand.u32 $0x4000, s31;
	s1 =	sadd.s32 s1, s30  }
0xbc: {  	s0 =	sor.u32 s3, s0;
	s1 =	sshll.u32 s1, $0x11  }
0xbd: {  	s0 =	sor.u32 s1, s0  }
0xbe: {  	s0 =	sadd.s32 $0x8F2B, s0  }
0xbf: {  	[sflag:s0] =	ssyncadd.remote.s32 $0x1  }
0xc0: {  	_ =	sfence.sel $0xFFFF  }
0xc1: {  	[dreg:$0x0] =	wrdreg $0xFFFFFFFF;
	(pc) =	sbr.abs _section_cstart, $3  }
0xc2: {  	[dreg:$0x1] =	wrdreg $0xFFFFFFFF  }
0xc3: {  	_ =	task.clear_ibuf [dreg:s8], $0x2FFFF;
	_ =	strace $0x9FFFFFFF  }
0xc4: {  	(tm) =	ssettm $0x7FFFFFFF  }
0xc5: {  	_ =	shalt  }
tec
execute0_lowered:
.L_overlay_start_1:
0x0: {  	(tag) =	ssettag $0x1  }
0x1: {  	s0 =	rddreg [dreg:$0x0]  }
0x2: {  	s1 =	rddreg [dreg:$0x1]  }
0x3: {  	s3 =	rddreg [dreg:$0x2];
	s2 =	srdreg.scid  }
0x4: {  	s4 =	simm.s32 $0x0;
	s10 =	stileid.u32;
	s20 =	simm.s32 $0x4000  }
0x5: {  	s29 =	simm.s32 $0x8000;
	s19 =	simm.s32 $0xC000;
	s30 =	simm.s32 $0x10000  }
0x6: {  	s22 =	simm.s32 $0x1;
	s28 =	simm.s32 $0x4;
	s31 =	simm.s32 $0x5  }
0x7: {  	s2 =	sand.u32 $0x1, s2;
	s5 =	sshll.u32 s10, $0xC;
	[smem:$0x7FF] =	sst s4  }
0x8: {  	s8 =	sadd.s32 $0x1800, s1;
	s9 =	sadd.s32 $0x2000, s1;
	s25 =	sshll.u32 s10, $0x16  }
0x9: {  	s10 =	sadd.s32 $0x2800, s1;
	s11 =	sadd.s32 $0x3000, s1;
	s13 =	sadd.s32 $0x3800, s1  }
0xa: {  	s6 =	sshll.u32 s2, $0xB;
	s7 =	ssub.s32 $0x2, s2;
	_ =	strace $0x80000047  }
0xb: {  	s12 =	sand.u32 $0x2000000, s25;
	s2 =	sshll.u32 s2, $0x15;
	s5 =	sor.u32 s6, s5  }
0xc: {  	s23 =	sshrl.u32 s7, $0x1;
	s6 =	sadd.s32 $0x800, s1;
	s14 =	sor.u32 $0x80, s12  }
0xd: {  	s26 =	sor.u32 $0x100, s12;
	s16 =	smov.u32 s12;
	[dreg:$0x5] =	wrdreg s14  }
0xe: {  	s12 =	sor.u32 $0x180, s12;
	s0 =	sadd.s32 s5, s0;
	[dreg:$0x6] =	wrdreg s26  }
0xf: {  	s24 =	ssub.s32 s7, s23;
	s7 =	sadd.s32 $0x1000, s1;
	[dreg:$0x7] =	wrdreg s12  }
.Ltmp0:
0x10: {  	s23 =	simm.s32 $0x80;
	s0 =	sadd.s32 $0x400, s0;
	(pc) =	sbr.rel .LBB2_1-.Ltmp0, $4  }
0x11: {  	s26 =	simm.s32 $0x3;
	s5 =	smax.u32 s24, $0x1;
	[dreg:$0x4] =	wrdreg s0  }
0x12: {  	s14 =	simm.s32 $0x0;
	s24 =	simm.s32 $0x400;
	[dreg:$0x8] =	wrdreg s5  }
0x13: {  	v1 =	vlaneseq.u32;
	s0 =	sor.u32 s2, s25;
	s25 =	simm.s32 $0x2;
	s2 =	simm.s32 $0x7  }
0x14: {  	v0 =	vimm.s32 $0x0;
	vm0 =	vmmov $0xffff;
	v1 =	vmul.u32 $0x8, v1;
	s5 =	simm.s32 $0x8;
	[dreg:$0x9] =	wrdreg s0;
	s0 =	simm.s32 $0x6  }
.LBB2_4:
0x15: {  	_ =	swait.ge [sflag:s0], $0x4000  }
0x16: {  	[sflag:s0] =	ssyncset.done $0x0  }
0x17: {  	[sflag:s0] =	ssyncadd.s32 $0xFFFFC000  }
0x18: {  	_ =	swait.ge [sflag:s2], $0x4000  }
0x19: {  	[sflag:s2] =	ssyncset.done $0x0  }
0x1a: {  	[sflag:s2] =	ssyncadd.s32 $0xFFFFC000  }
0x1b: {  	_ =	swait.ge [sflag:s5], $0x4000  }
0x1c: {  	s14 =	rddreg [dreg:$0xa]  }
0x1d: {  	s12 =	rddreg [dreg:$0x8];
	s14 =	sadd.s32 $0x1, s14  }
0x1e: {  	p0 =	sne.s32 s14, s12  }
.Ltmp1:
0x1f: {  	_ = 	snop;
	(pc) =	sbr.rel @!p0 .LBB2_5-.Ltmp1, $3  }
0x20: {  	_ =	sdelay $0x1  }
0x21: {  	[sflag:s5] =	ssyncset.done $0x0  }
0x22: {  	[sflag:s5] =	ssyncadd.s32 $0xFFFFC000  }
.LBB2_1:
0x23: {  	[dreg:$0xa] =	wrdreg s14  }
0x24: {  	s12 =	rddreg [dreg:$0x4];
	s15 =	simm.s32 $0x9  }
0x25: {  	[tilespmem:s4], [sflag:$0x9] =	stream.linear.gather [hbm4b:s12+s4], $0x4000, $0x38;
	[tilespmem:$0x14000] =	vst v63  }
0x26: {  	_ =	swait.ge [sflag:s15], $0x4000  }
0x27: {  	[sflag:s15] =	ssyncset.done $0x0  }
0x28: {  	[sflag:s15] =	ssyncadd.s32 $0xFFFFC000  }
0x29: {  	v2 =	vld.msk [tilespmem:$0x0], $0x1;
	_ =	sdelay $0x4  }
0x2a: {  	v3 =	vshll.u32 v2, $0x7  }
0x2b: {  	v2 =	vand.u32 $0x7, v2;
	v3 =	vand.u32 $0xFFFFFC00, v3  }
0x2c: {  	v2 =	vor.u32 v2, v3  }
0x2d: {  	v2 =	vperm.xlane v2, v0;
	_ =	sdelay $0x1  }
0x2e: {  	v2 =	vadd.s32 v1, v2;
	_ =	sdelay $0x4  }
0x2f: {  	[tilespmem:s20], [sflag:$0x1] =	stream.indirect_vreg.gather [hbm4b:s1+s4], $0x80, v2, vm0, $0xb8;
	[tilespmem:$0x14000] =	vst v63  }
0x30: {  	s17 =	simm.s32 $0x4800  }
0x31: {  	[tilespmem:s17], [sflag:$0x1] =	stream.indirect_vreg.gather [hbm4b:s6+s4], $0x80, v2, vm0, $0xb8;
	[tilespmem:$0x14000] =	vst v63  }
0x32: {  	s18 =	simm.s32 $0x5000  }
0x33: {  	[tilespmem:s18], [sflag:$0x1] =	stream.indirect_vreg.gather [hbm4b:s7+s4], $0x80, v2, vm0, $0xb8;
	[tilespmem:$0x14000] =	vst v63  }
0x34: {  	s21 =	simm.s32 $0x5800  }
0x35: {  	[tilespmem:s21], [sflag:$0x1] =	stream.indirect_vreg.gather [hbm4b:s8+s4], $0x80, v2, vm0, $0xb8;
	[tilespmem:$0x14000] =	vst v63  }
0x36: {  	s14 =	simm.s32 $0x6000  }
0x37: {  	[tilespmem:s14], [sflag:$0x1] =	stream.indirect_vreg.gather [hbm4b:s9+s4], $0x80, v2, vm0, $0xb8;
	[tilespmem:$0x14000] =	vst v63  }
0x38: {  	s15 =	simm.s32 $0x6800  }
0x39: {  	[tilespmem:s15], [sflag:$0x1] =	stream.indirect_vreg.gather [hbm4b:s10+s4], $0x80, v2, vm0, $0xb8;
	[tilespmem:$0x14000] =	vst v63  }
0x3a: {  	s17 =	simm.s32 $0x7000  }
0x3b: {  	[tilespmem:s17], [sflag:$0x1] =	stream.indirect_vreg.gather [hbm4b:s11+s4], $0x80, v2, vm0, $0xb8;
	[tilespmem:$0x14000] =	vst v63  }
0x3c: {  	s18 =	simm.s32 $0x7800  }
0x3d: {  	[tilespmem:s18], [sflag:$0x1] =	stream.indirect_vreg.gather [hbm4b:s13+s4], $0x80, v2, vm0, $0xb8;
	[tilespmem:$0x14000] =	vst v63  }
0x3e: {  	v2 =	vld.msk [tilespmem:$0x80], $0x1;
	_ =	sdelay $0x4  }
0x3f: {  	v3 =	vshll.u32 v2, $0x7  }
0x40: {  	v2 =	vand.u32 $0x7, v2;
	v3 =	vand.u32 $0xFFFFFC00, v3  }
0x41: {  	v2 =	vor.u32 v2, v3  }
0x42: {  	v2 =	vperm.xlane v2, v0;
	_ =	sdelay $0x1  }
0x43: {  	v2 =	vadd.s32 v1, v2;
	_ =	sdelay $0x4  }
0x44: {  	[tilespmem:s29], [sflag:$0x2] =	stream.indirect_vreg.gather [hbm4b:s1+s4], $0x80, v2, vm0, $0xb8;
	[tilespmem:$0x14000] =	vst v63  }
0x45: {  	s21 =	simm.s32 $0x8800  }
0x46: {  	[tilespmem:s21], [sflag:$0x2] =	stream.indirect_vreg.gather [hbm4b:s6+s4], $0x80, v2, vm0, $0xb8;
	[tilespmem:$0x14000] =	vst v63  }
0x47: {  	s14 =	simm.s32 $0x9000  }
0x48: {  	[tilespmem:s14], [sflag:$0x2] =	stream.indirect_vreg.gather [hbm4b:s7+s4], $0x80, v2, vm0, $0xb8;
	[tilespmem:$0x14000] =	vst v63  }
0x49: {  	s15 =	simm.s32 $0x9800  }
0x4a: {  	[tilespmem:s15], [sflag:$0x2] =	stream.indirect_vreg.gather [hbm4b:s8+s4], $0x80, v2, vm0, $0xb8;
	[tilespmem:$0x14000] =	vst v63  }
0x4b: {  	s17 =	simm.s32 $0xA000  }
0x4c: {  	[tilespmem:s17], [sflag:$0x2] =	stream.indirect_vreg.gather [hbm4b:s9+s4], $0x80, v2, vm0, $0xb8;
	[tilespmem:$0x14000] =	vst v63  }
0x4d: {  	s18 =	simm.s32 $0xA800  }
0x4e: {  	[tilespmem:s18], [sflag:$0x2] =	stream.indirect_vreg.gather [hbm4b:s10+s4], $0x80, v2, vm0, $0xb8;
	[tilespmem:$0x14000] =	vst v63  }
0x4f: {  	s21 =	simm.s32 $0xB000  }
0x50: {  	[tilespmem:s21], [sflag:$0x2] =	stream.indirect_vreg.gather [hbm4b:s11+s4], $0x80, v2, vm0, $0xb8;
	[tilespmem:$0x14000] =	vst v63  }
0x51: {  	s14 =	simm.s32 $0xB800  }
0x52: {  	[tilespmem:s14], [sflag:$0x2] =	stream.indirect_vreg.gather [hbm4b:s13+s4], $0x80, v2, vm0, $0xb8;
	[tilespmem:$0x14000] =	vst v63  }
0x53: {  	v2 =	vld.msk [tilespmem:$0x100], $0x1;
	_ =	sdelay $0x4  }
0x54: {  	v3 =	vshll.u32 v2, $0x7  }
0x55: {  	v2 =	vand.u32 $0x7, v2;
	v3 =	vand.u32 $0xFFFFFC00, v3  }
0x56: {  	v2 =	vor.u32 v2, v3  }
0x57: {  	v2 =	vperm.xlane v2, v0;
	_ =	sdelay $0x1  }
0x58: {  	v2 =	vadd.s32 v1, v2;
	_ =	sdelay $0x4  }
0x59: {  	[tilespmem:s19], [sflag:$0x3] =	stream.indirect_vreg.gather [hbm4b:s1+s4], $0x80, v2, vm0, $0xb8;
	[tilespmem:$0x14000] =	vst v63  }
0x5a: {  	s15 =	simm.s32 $0xC800  }
0x5b: {  	[tilespmem:s15], [sflag:$0x3] =	stream.indirect_vreg.gather [hbm4b:s6+s4], $0x80, v2, vm0, $0xb8;
	[tilespmem:$0x14000] =	vst v63  }
0x5c: {  	s17 =	simm.s32 $0xD000  }
0x5d: {  	[tilespmem:s17], [sflag:$0x3] =	stream.indirect_vreg.gather [hbm4b:s7+s4], $0x80, v2, vm0, $0xb8;
	[tilespmem:$0x14000] =	vst v63  }
0x5e: {  	s18 =	simm.s32 $0xD800  }
0x5f: {  	[tilespmem:s18], [sflag:$0x3] =	stream.indirect_vreg.gather [hbm4b:s8+s4], $0x80, v2, vm0, $0xb8;
	[tilespmem:$0x14000] =	vst v63  }
0x60: {  	s21 =	simm.s32 $0xE000  }
0x61: {  	[tilespmem:s21], [sflag:$0x3] =	stream.indirect_vreg.gather [hbm4b:s9+s4], $0x80, v2, vm0, $0xb8;
	[tilespmem:$0x14000] =	vst v63  }
0x62: {  	s14 =	simm.s32 $0xE800  }
0x63: {  	[tilespmem:s14], [sflag:$0x3] =	stream.indirect_vreg.gather [hbm4b:s10+s4], $0x80, v2, vm0, $0xb8;
	[tilespmem:$0x14000] =	vst v63  }
0x64: {  	s15 =	simm.s32 $0xF000  }
0x65: {  	[tilespmem:s15], [sflag:$0x3] =	stream.indirect_vreg.gather [hbm4b:s11+s4], $0x80, v2, vm0, $0xb8;
	[tilespmem:$0x14000] =	vst v63  }
0x66: {  	s17 =	simm.s32 $0xF800  }
0x67: {  	[tilespmem:s17], [sflag:$0x3] =	stream.indirect_vreg.gather [hbm4b:s13+s4], $0x80, v2, vm0, $0xb8;
	[tilespmem:$0x14000] =	vst v63  }
0x68: {  	v2 =	vld.msk [tilespmem:$0x180], $0x1;
	_ =	sdelay $0x4  }
0x69: {  	v3 =	vshll.u32 v2, $0x7  }
0x6a: {  	v2 =	vand.u32 $0x7, v2;
	v3 =	vand.u32 $0xFFFFFC00, v3  }
0x6b: {  	v2 =	vor.u32 v2, v3  }
0x6c: {  	v2 =	vperm.xlane v2, v0;
	_ =	sdelay $0x1  }
0x6d: {  	v2 =	vadd.s32 v1, v2;
	_ =	sdelay $0x4  }
0x6e: {  	[tilespmem:s30], [sflag:$0x4] =	stream.indirect_vreg.gather [hbm4b:s1+s4], $0x80, v2, vm0, $0xb8;
	[tilespmem:$0x14000] =	vst v63  }
0x6f: {  	s18 =	simm.s32 $0x10800  }
0x70: {  	[tilespmem:s18], [sflag:$0x4] =	stream.indirect_vreg.gather [hbm4b:s6+s4], $0x80, v2, vm0, $0xb8;
	[tilespmem:$0x14000] =	vst v63  }
0x71: {  	s21 =	simm.s32 $0x11000  }
0x72: {  	[tilespmem:s21], [sflag:$0x4] =	stream.indirect_vreg.gather [hbm4b:s7+s4], $0x80, v2, vm0, $0xb8;
	[tilespmem:$0x14000] =	vst v63  }
0x73: {  	s14 =	simm.s32 $0x11800  }
0x74: {  	[tilespmem:s14], [sflag:$0x4] =	stream.indirect_vreg.gather [hbm4b:s8+s4], $0x80, v2, vm0, $0xb8;
	[tilespmem:$0x14000] =	vst v63  }
0x75: {  	s15 =	simm.s32 $0x12000  }
0x76: {  	[tilespmem:s15], [sflag:$0x4] =	stream.indirect_vreg.gather [hbm4b:s9+s4], $0x80, v2, vm0, $0xb8;
	[tilespmem:$0x14000] =	vst v63  }
0x77: {  	s17 =	simm.s32 $0x12800  }
0x78: {  	[tilespmem:s17], [sflag:$0x4] =	stream.indirect_vreg.gather [hbm4b:s10+s4], $0x80, v2, vm0, $0xb8;
	[tilespmem:$0x14000] =	vst v63  }
0x79: {  	s18 =	simm.s32 $0x13000  }
0x7a: {  	[tilespmem:s18], [sflag:$0x4] =	stream.indirect_vreg.gather [hbm4b:s11+s4], $0x80, v2, vm0, $0xb8;
	[tilespmem:$0x14000] =	vst v63  }
0x7b: {  	s21 =	simm.s32 $0x13800  }
0x7c: {  	[tilespmem:s21], [sflag:$0x4] =	stream.indirect_vreg.gather [hbm4b:s13+s4], $0x80, v2, vm0, $0xb8;
	[tilespmem:$0x14000] =	vst v63  }
0x7d: {  	s17 =	simm.s32 $0x380;
	s18 =	simm.s32 $0x0;
	s21 =	rddreg [dreg:$0x9]  }
.LBB2_2:
0x7e: {  	s12 =	sand.u32 $0x200, s18  }
0x7f: {  	s14 =	sand.u32 $0x1FE0000, s21;
	s15 =	sor.u32 s16, s12  }
0x80: {  	_ =	swait.ge [sflag:s22], $0x4000;
	s15 =	sor.u32 s14, s15  }
0x81: {  	[sflag:s22] =	ssyncset.done $0x0;
	s15 =	sshrl.u32 s15, $0x3  }
0x82: {  	[sflag:s22] =	ssyncadd.s32 $0xFFFFC000;
	s15 =	sadd.s32 s3, s15  }
0x83: {  	[hbm4b:s15+s23] =	stream.strided.scatter [tilespmem:s20], [sflag:$0x5], $0x4000, s24, s23, $0x38;
	[tilespmem:$0x14000] =	vst v63  }
0x84: {  	s15 =	rddreg [dreg:$0x5]  }
0x85: {  	s15 =	sor.u32 s15, s12  }
0x86: {  	_ =	swait.ge [sflag:s25], $0x4000;
	s15 =	sor.u32 s14, s15  }
0x87: {  	[sflag:s25] =	ssyncset.done $0x0;
	s15 =	sshrl.u32 s15, $0x3  }
0x88: {  	[sflag:s25] =	ssyncadd.s32 $0xFFFFC000;
	s15 =	sadd.s32 s3, s15  }
0x89: {  	[hbm4b:s15+s23] =	stream.strided.scatter [tilespmem:s29], [sflag:$0x6], $0x4000, s24, s23, $0x38;
	[tilespmem:$0x14000] =	vst v63  }
0x8a: {  	s15 =	rddreg [dreg:$0x6]  }
0x8b: {  	s15 =	sor.u32 s15, s12  }
0x8c: {  	_ =	swait.ge [sflag:s26], $0x4000;
	s15 =	sor.u32 s14, s15  }
0x8d: {  	[sflag:s26] =	ssyncset.done $0x0;
	s15 =	sshrl.u32 s15, $0x3  }
0x8e: {  	[sflag:s26] =	ssyncadd.s32 $0xFFFFC000;
	s15 =	sadd.s32 s3, s15  }
0x8f: {  	[hbm4b:s15+s23] =	stream.strided.scatter [tilespmem:s19], [sflag:$0x7], $0x4000, s24, s23, $0x38;
	[tilespmem:$0x14000] =	vst v63  }
0x90: {  	s15 =	rddreg [dreg:$0x7]  }
0x91: {  	s12 =	sor.u32 s15, s12  }
0x92: {  	_ =	swait.ge [sflag:s28], $0x4000;
	s12 =	sor.u32 s14, s12  }
0x93: {  	p0 =	seq.s32 s18, $0x3E00;
	[sflag:s28] =	ssyncset.done $0x0;
	s12 =	sshrl.u32 s12, $0x3  }
.Ltmp2:
0x94: {  	[sflag:s28] =	ssyncadd.s32 $0xFFFFC000;
	s12 =	sadd.s32 s3, s12;
	(pc) =	sbr.rel @p0 .LBB2_4-.Ltmp2, $4  }
0x95: {  	[hbm4b:s12+s23] =	stream.strided.scatter [tilespmem:s30], [sflag:$0x8], $0x4000, s24, s23, $0x38;
	[tilespmem:$0x14000] =	vst v63  }
0x96: {  	_ =	swait.ge [sflag:s31], $0x4000  }
0x97: {  	[sflag:s31] =	ssyncset.done $0x0  }
0x98: {  	[sflag:s31] =	ssyncadd.s32 $0xFFFFC000  }
0x99: {  	v2 =	vld.msk [tilespmem:s17+$0xFFFFFE80], $0x1;
	_ =	sdelay $0x4  }
0x9a: {  	v3 =	vshll.u32 v2, $0x7  }
0x9b: {  	v2 =	vand.u32 $0x7, v2;
	v3 =	vand.u32 $0xFFFFFC00, v3  }
0x9c: {  	v2 =	vor.u32 v2, v3  }
0x9d: {  	v2 =	vperm.xlane v2, v0;
	_ =	sdelay $0x1  }
0x9e: {  	v2 =	vadd.s32 v1, v2;
	_ =	sdelay $0x4  }
0x9f: {  	[tilespmem:s20], [sflag:$0x1] =	stream.indirect_vreg.gather [hbm4b:s1+s4], $0x80, v2, vm0, $0xb8;
	[tilespmem:$0x14000] =	vst v63  }
0xa0: {  	s12 =	simm.s32 $0x4800  }
0xa1: {  	[tilespmem:s12], [sflag:$0x1] =	stream.indirect_vreg.gather [hbm4b:s6+s4], $0x80, v2, vm0, $0xb8;
	[tilespmem:$0x14000] =	vst v63  }
0xa2: {  	s15 =	simm.s32 $0x5000  }
0xa3: {  	[tilespmem:s15], [sflag:$0x1] =	stream.indirect_vreg.gather [hbm4b:s7+s4], $0x80, v2, vm0, $0xb8;
	[tilespmem:$0x14000] =	vst v63  }
0xa4: {  	s14 =	simm.s32 $0x5800  }
0xa5: {  	[tilespmem:s14], [sflag:$0x1] =	stream.indirect_vreg.gather [hbm4b:s8+s4], $0x80, v2, vm0, $0xb8;
	[tilespmem:$0x14000] =	vst v63  }
0xa6: {  	s15 =	simm.s32 $0x6000  }
0xa7: {  	[tilespmem:s15], [sflag:$0x1] =	stream.indirect_vreg.gather [hbm4b:s9+s4], $0x80, v2, vm0, $0xb8;
	[tilespmem:$0x14000] =	vst v63  }
0xa8: {  	s14 =	simm.s32 $0x6800  }
0xa9: {  	[tilespmem:s14], [sflag:$0x1] =	stream.indirect_vreg.gather [hbm4b:s10+s4], $0x80, v2, vm0, $0xb8;
	[tilespmem:$0x14000] =	vst v63  }
0xaa: {  	s15 =	simm.s32 $0x7000  }
0xab: {  	[tilespmem:s15], [sflag:$0x1] =	stream.indirect_vreg.gather [hbm4b:s11+s4], $0x80, v2, vm0, $0xb8;
	[tilespmem:$0x14000] =	vst v63  }
0xac: {  	s14 =	simm.s32 $0x7800  }
0xad: {  	[tilespmem:s14], [sflag:$0x1] =	stream.indirect_vreg.gather [hbm4b:s13+s4], $0x80, v2, vm0, $0xb8;
	[tilespmem:$0x14000] =	vst v63  }
0xae: {  	_ =	swait.ge [sflag:s0], $0x4000  }
0xaf: {  	[sflag:s0] =	ssyncset.done $0x0  }
0xb0: {  	[sflag:s0] =	ssyncadd.s32 $0xFFFFC000  }
0xb1: {  	v2 =	vld.msk [tilespmem:s17+$0xFFFFFF00], $0x1;
	_ =	sdelay $0x4  }
0xb2: {  	v3 =	vshll.u32 v2, $0x7  }
0xb3: {  	v2 =	vand.u32 $0x7, v2;
	v3 =	vand.u32 $0xFFFFFC00, v3  }
0xb4: {  	v2 =	vor.u32 v2, v3  }
0xb5: {  	v2 =	vperm.xlane v2, v0;
	_ =	sdelay $0x1  }
0xb6: {  	v2 =	vadd.s32 v1, v2;
	_ =	sdelay $0x4  }
0xb7: {  	[tilespmem:s29], [sflag:$0x2] =	stream.indirect_vreg.gather [hbm4b:s1+s4], $0x80, v2, vm0, $0xb8;
	[tilespmem:$0x14000] =	vst v63  }
0xb8: {  	s15 =	simm.s32 $0x8800  }
0xb9: {  	[tilespmem:s15], [sflag:$0x2] =	stream.indirect_vreg.gather [hbm4b:s6+s4], $0x80, v2, vm0, $0xb8;
	[tilespmem:$0x14000] =	vst v63  }
0xba: {  	s14 =	simm.s32 $0x9000  }
0xbb: {  	[tilespmem:s14], [sflag:$0x2] =	stream.indirect_vreg.gather [hbm4b:s7+s4], $0x80, v2, vm0, $0xb8;
	[tilespmem:$0x14000] =	vst v63  }
0xbc: {  	s15 =	simm.s32 $0x9800  }
0xbd: {  	[tilespmem:s15], [sflag:$0x2] =	stream.indirect_vreg.gather [hbm4b:s8+s4], $0x80, v2, vm0, $0xb8;
	[tilespmem:$0x14000] =	vst v63  }
0xbe: {  	s14 =	simm.s32 $0xA000  }
0xbf: {  	[tilespmem:s14], [sflag:$0x2] =	stream.indirect_vreg.gather [hbm4b:s9+s4], $0x80, v2, vm0, $0xb8;
	[tilespmem:$0x14000] =	vst v63  }
0xc0: {  	s15 =	simm.s32 $0xA800  }
0xc1: {  	[tilespmem:s15], [sflag:$0x2] =	stream.indirect_vreg.gather [hbm4b:s10+s4], $0x80, v2, vm0, $0xb8;
	[tilespmem:$0x14000] =	vst v63  }
0xc2: {  	s14 =	simm.s32 $0xB000  }
0xc3: {  	[tilespmem:s14], [sflag:$0x2] =	stream.indirect_vreg.gather [hbm4b:s11+s4], $0x80, v2, vm0, $0xb8;
	[tilespmem:$0x14000] =	vst v63  }
0xc4: {  	s15 =	simm.s32 $0xB800  }
0xc5: {  	[tilespmem:s15], [sflag:$0x2] =	stream.indirect_vreg.gather [hbm4b:s13+s4], $0x80, v2, vm0, $0xb8;
	[tilespmem:$0x14000] =	vst v63  }
0xc6: {  	_ =	swait.ge [sflag:s2], $0x4000  }
0xc7: {  	[sflag:s2] =	ssyncset.done $0x0  }
0xc8: {  	[sflag:s2] =	ssyncadd.s32 $0xFFFFC000  }
0xc9: {  	v2 =	vld.msk [tilespmem:s17+$0xFFFFFF80], $0x1;
	_ =	sdelay $0x4  }
0xca: {  	v3 =	vshll.u32 v2, $0x7  }
0xcb: {  	v2 =	vand.u32 $0x7, v2;
	v3 =	vand.u32 $0xFFFFFC00, v3  }
0xcc: {  	v2 =	vor.u32 v2, v3  }
0xcd: {  	v2 =	vperm.xlane v2, v0;
	_ =	sdelay $0x1  }
0xce: {  	v2 =	vadd.s32 v1, v2;
	_ =	sdelay $0x4  }
0xcf: {  	[tilespmem:s19], [sflag:$0x3] =	stream.indirect_vreg.gather [hbm4b:s1+s4], $0x80, v2, vm0, $0xb8;
	[tilespmem:$0x14000] =	vst v63  }
0xd0: {  	s14 =	simm.s32 $0xC800  }
0xd1: {  	[tilespmem:s14], [sflag:$0x3] =	stream.indirect_vreg.gather [hbm4b:s6+s4], $0x80, v2, vm0, $0xb8;
	[tilespmem:$0x14000] =	vst v63  }
0xd2: {  	s15 =	simm.s32 $0xD000  }
0xd3: {  	[tilespmem:s15], [sflag:$0x3] =	stream.indirect_vreg.gather [hbm4b:s7+s4], $0x80, v2, vm0, $0xb8;
	[tilespmem:$0x14000] =	vst v63  }
0xd4: {  	s14 =	simm.s32 $0xD800  }
0xd5: {  	[tilespmem:s14], [sflag:$0x3] =	stream.indirect_vreg.gather [hbm4b:s8+s4], $0x80, v2, vm0, $0xb8;
	[tilespmem:$0x14000] =	vst v63  }
0xd6: {  	s15 =	simm.s32 $0xE000  }
0xd7: {  	[tilespmem:s15], [sflag:$0x3] =	stream.indirect_vreg.gather [hbm4b:s9+s4], $0x80, v2, vm0, $0xb8;
	[tilespmem:$0x14000] =	vst v63  }
0xd8: {  	s14 =	simm.s32 $0xE800  }
0xd9: {  	[tilespmem:s14], [sflag:$0x3] =	stream.indirect_vreg.gather [hbm4b:s10+s4], $0x80, v2, vm0, $0xb8;
	[tilespmem:$0x14000] =	vst v63  }
0xda: {  	s15 =	simm.s32 $0xF000  }
0xdb: {  	[tilespmem:s15], [sflag:$0x3] =	stream.indirect_vreg.gather [hbm4b:s11+s4], $0x80, v2, vm0, $0xb8;
	[tilespmem:$0x14000] =	vst v63  }
0xdc: {  	s14 =	simm.s32 $0xF800  }
0xdd: {  	[tilespmem:s14], [sflag:$0x3] =	stream.indirect_vreg.gather [hbm4b:s13+s4], $0x80, v2, vm0, $0xb8;
	[tilespmem:$0x14000] =	vst v63  }
0xde: {  	_ =	swait.ge [sflag:s5], $0x4000  }
0xdf: {  	[sflag:s5] =	ssyncset.done $0x0  }
0xe0: {  	[sflag:s5] =	ssyncadd.s32 $0xFFFFC000  }
0xe1: {  	v2 =	vld.msk [tilespmem:s17+$0x0], $0x1;
	_ =	sdelay $0x4  }
0xe2: {  	v3 =	vshll.u32 v2, $0x7  }
0xe3: {  	v2 =	vand.u32 $0x7, v2;
	v3 =	vand.u32 $0xFFFFFC00, v3  }
0xe4: {  	v2 =	vor.u32 v2, v3  }
0xe5: {  	v2 =	vperm.xlane v2, v0;
	_ =	sdelay $0x1  }
0xe6: {  	v2 =	vadd.s32 v1, v2;
	_ =	sdelay $0x4  }
0xe7: {  	[tilespmem:s30], [sflag:$0x4] =	stream.indirect_vreg.gather [hbm4b:s1+s4], $0x80, v2, vm0, $0xb8;
	[tilespmem:$0x14000] =	vst v63  }
0xe8: {  	s15 =	simm.s32 $0x10800  }
0xe9: {  	[tilespmem:s15], [sflag:$0x4] =	stream.indirect_vreg.gather [hbm4b:s6+s4], $0x80, v2, vm0, $0xb8;
	[tilespmem:$0x14000] =	vst v63  }
0xea: {  	s14 =	simm.s32 $0x11000  }
0xeb: {  	[tilespmem:s14], [sflag:$0x4] =	stream.indirect_vreg.gather [hbm4b:s7+s4], $0x80, v2, vm0, $0xb8;
	[tilespmem:$0x14000] =	vst v63  }
0xec: {  	s15 =	simm.s32 $0x11800  }
0xed: {  	[tilespmem:s15], [sflag:$0x4] =	stream.indirect_vreg.gather [hbm4b:s8+s4], $0x80, v2, vm0, $0xb8;
	[tilespmem:$0x14000] =	vst v63  }
0xee: {  	s14 =	simm.s32 $0x12000  }
0xef: {  	[tilespmem:s14], [sflag:$0x4] =	stream.indirect_vreg.gather [hbm4b:s9+s4], $0x80, v2, vm0, $0xb8;
	[tilespmem:$0x14000] =	vst v63  }
0xf0: {  	s15 =	simm.s32 $0x12800  }
0xf1: {  	[tilespmem:s15], [sflag:$0x4] =	stream.indirect_vreg.gather [hbm4b:s10+s4], $0x80, v2, vm0, $0xb8;
	[tilespmem:$0x14000] =	vst v63  }
.Ltmp3:
0xf2: {  	_ = 	snop;
	(pc) =	sbr.rel .LBB2_2-.Ltmp3, $4  }
0xf3: {  	s21 =	sadd.s32 $0x10000, s21;
	s14 =	simm.s32 $0x13000  }
0xf4: {  	[tilespmem:s14], [sflag:$0x4] =	stream.indirect_vreg.gather [hbm4b:s11+s4], $0x80, v2, vm0, $0xb8;
	[tilespmem:$0x14000] =	vst v63  }
0xf5: {  	s18 =	sadd.s32 $0x200, s18;
	s17 =	sadd.s32 $0x200, s17;
	s15 =	simm.s32 $0x13800  }
0xf6: {  	[tilespmem:s15], [sflag:$0x4] =	stream.indirect_vreg.gather [hbm4b:s13+s4], $0x80, v2, vm0, $0xb8;
	[tilespmem:$0x14000] =	vst v63  }
.LBB2_5:
0xf7: {  	_ =	sfence.sel $0x180000  }
0xf8: {  	[bflag:$0x0] =	sbarrier.arrive $0xFFFF  }
0xf9: {  	_ =	strace $0x90000047  }
0xfa: {  	s0 =	stileid.u32;
	[bflag:$0x2] =	sbarrier.arrive $0xFFFF  }
0xfb: {  	p0 =	sne.s32 s0, $0x0;
	s0 =	rddreg [dreg:$0x3]  }
0xfc: {  	s0 =	sadd.s32 @!p0 $0x100000, s0  }
0xfd: {  	[sflag:s0] =	ssyncadd.tile.s32 @!p0 $0x1;
	_ =	shalt  }
.Lfunc_end2:
_tile_overlayer_lowered:
.L_overlay_start_2:
0xfe: {  	(tag) =	ssettag $0x2  }
0xff: {  	s0 =	rddreg [dreg:$0x0];
	s2 =	stileid.u32  }
0x100: {  	s1 =	rddreg [dreg:$0x1];
	p0 =	sne.s32 s2, $0x0  }
0x101: {  	s3 =	rddreg [dreg:$0x2];
	[bflag:$0x3] =	sbarrier.arrive $0xFFFF;
	s2 =	simm.s32 @!p0 $0x1C09  }
0x102: {  	[timem:s3], [sflag:s2] =	dma.local @!p0 [hbm:s0], s1  }
0x103: {  	s0 =	simm.s32 @!p0 $0x9  }
0x104: {  	_ =	swait.ge @!p0 [sflag:s0], s1  }
0x105: {  	s1 =	ssub.s32 @!p0 $0x0, s1;
	[sflag:s0] =	ssyncset.done @!p0 $0x0  }
0x106: {  	[sflag:s0] =	ssyncadd.s32 @!p0 s1  }
0x107: {  	[bflag:$0x3] =	sbarrier.arrive $0xFFFF  }
0x108: {  	_ =	shalt  }

</sc_bundles>
